<compile_context>
chip_gen: v7x
topology: tpu7x:2x2x1
jax: 0.10.2.dev20260603
libtpu: 0.0.44.dev20260713+nightly
codegen_flags: <defaults>
</compile_context>

<pallas_src>
import jax
import jax.numpy as jnp
from jax import lax
from jax.experimental import pallas as pl
from jax.experimental.pallas import tpu as pltpu
from jax.experimental.pallas import tpu_sc as plsc

N = 1_000_000
D = 64
S = 200
PAD_ROWS = 8192
PAD_N = PAD_ROWS * 128
SENTINEL = 0x7F7FFFFF
HI_BITS = 0x3F800000
IDX_PAD = 0x40000000

COPY_BLOCKS = 125
COPY_ROWS = N // COPY_BLOCKS

NT = 16
SH = 62496
SH_LAST = N - 15 * SH
NV = SH // 16
NV_LAST = SH_LAST // 16
CAP = 256


def _thresh_prio_body(pb_ref, x_ref, w1_ref, b1_ref, w2_ref, b2_ref,
                      thr_ref, prio_ref):
    pbv = pb_ref[...]

    def bs_step(_, lohi):
        lo, hi = lohi
        mid = (lo + hi) // 2
        cnt = jnp.sum((pbv < mid).astype(jnp.int32))
        take = cnt >= S
        return (jnp.where(take, lo, mid), jnp.where(take, mid, hi))

    lo, hi = lax.fori_loop(0, 30, bs_step,
                           (jnp.int32(0), jnp.int32(HI_BITS)))
    tstar = hi - 1
    c1 = jnp.sum((pbv < tstar).astype(jnp.int32))
    need2 = S - c1
    thr_ref[0] = tstar
    thr_ref[1] = c1
    thr_ref[2] = need2
    thr_ref[3] = 0

    x = x_ref[...]
    x2 = jnp.concatenate([x, x], axis=1)
    h = jnp.dot(x2, w1_ref[...], preferred_element_type=jnp.float32)
    h = jnp.maximum(h + b1_ref[...], 0.0)
    z = jnp.dot(h, w2_ref[...], preferred_element_type=jnp.float32)
    z = z + b2_ref[...]
    p = 1.0 / (1.0 + jnp.exp(-z))
    prio_ref[...] = jnp.concatenate(
        [p, jnp.zeros((CAP - S, 1), jnp.float32)], axis=0)


def _sc_body(pri_hbm, thr_hbm, idx_out, slot_out,
             shard, la_idx, la_bits, lb_idx, thr_v, cnt_v,
             dense_idx, dense_bits, dense_out, byidx_v, byslot_v,
             allA_idx, allA_bits, allB_idx, allC,
             shA_idx, shA_bits, shB_idx, shC):
    t = lax.axis_index("s")
    lane = lax.iota(jnp.int32, 16)
    base = t * SH
    is_last = t == (NT - 1)

    @pl.when(jnp.logical_not(is_last))
    def _():
        pltpu.sync_copy(pri_hbm.at[pl.ds(base, SH)], shard.at[pl.ds(0, SH)])

    @pl.when(is_last)
    def _():
        pltpu.sync_copy(pri_hbm.at[pl.ds(15 * SH, SH_LAST)],
                        shard.at[pl.ds(0, SH_LAST)])

    pltpu.sync_copy(thr_hbm, thr_v)
    thrv = thr_v[...]
    tstar = jnp.sum(jnp.where(lane == 0, thrv, 0))
    need2 = jnp.sum(jnp.where(lane == 2, thrv, 0))
    length = jnp.where(is_last, SH_LAST, SH)
    nv = jnp.where(is_last, NV_LAST, NV)

    def ex_step(i, carry):
        offa, offb = carry
        v = shard[pl.ds(i * 16, 16)]
        b = plsc.bitcast(v, jnp.int32)
        pos_in = i * 16 + lane
        valid = pos_in < length
        ma = (b < tstar) & valid
        mb = (b == tstar) & valid
        hit = jnp.any(ma | mb)

        def do_append(c):
            oa, ob = c
            idxv = base + pos_in
            plsc.store_compressed(la_idx.at[pl.ds(oa, 16)], idxv, mask=ma)
            plsc.store_compressed(la_bits.at[pl.ds(oa, 16)], b, mask=ma)
            na = jnp.sum(ma.astype(jnp.int32))
            pos = plsc.cumsum(mb.astype(jnp.int32)) - 1
            mb2 = mb & ((ob + pos) < need2)
            plsc.store_compressed(lb_idx.at[pl.ds(ob, 16)], idxv, mask=mb2)
            nb = jnp.sum(mb2.astype(jnp.int32))
            return (oa + na, ob + nb)

        return lax.cond(hit, do_append, lambda c: c, (offa, offb))

    offa, offb = lax.fori_loop(0, nv, ex_step,
                               (jnp.int32(0), jnp.int32(0)))

    cw = (jnp.where(lane == 0, offa, 0) + jnp.where(lane == 1, offb, 0))
    cnt_v[...] = cw
    pltpu.sync_copy(cnt_v, shC.at[pl.ds(t * 16, 16)])
    pltpu.sync_copy(la_idx, shA_idx.at[pl.ds(t * CAP, CAP)])
    pltpu.sync_copy(la_bits, shA_bits.at[pl.ds(t * CAP, CAP)])
    pltpu.sync_copy(lb_idx, shB_idx.at[pl.ds(t * CAP, CAP)])
    plsc.subcore_barrier()

    @pl.when(t == 0)
    def _assemble():
        pltpu.sync_copy(shC, allC)
        pltpu.sync_copy(shA_idx, allA_idx)
        pltpu.sync_copy(shA_bits, allA_bits)
        pltpu.sync_copy(shB_idx, allB_idx)

        def count_of(w, which):
            cv = allC[pl.ds(w * 16, 16)]
            return jnp.sum(jnp.where(lane == which, cv, 0))

        def a_tile(w, offa2):
            naw = count_of(w, 0)

            def a_chunk(c, oa):
                def app(oa2):
                    v = allA_idx[pl.ds(w * CAP + c * 16, 16)]
                    bt = allA_bits[pl.ds(w * CAP + c * 16, 16)]
                    m = (c * 16 + lane) < naw
                    plsc.store_compressed(dense_idx.at[pl.ds(oa2, 16)],
                                          v, mask=m)
                    plsc.store_compressed(dense_bits.at[pl.ds(oa2, 16)],
                                          bt, mask=m)
                    return oa2 + jnp.sum(m.astype(jnp.int32))
                return lax.cond(c * 16 < naw, app, lambda o: o, oa)

            return lax.fori_loop(0, CAP // 16, a_chunk, offa2)

        ca = lax.fori_loop(0, NT, a_tile, jnp.int32(0))

        def rank_k(k, _):
            kk = jnp.full((16,), 0, jnp.int32) + k
            bk = plsc.load_gather(dense_bits, [kk])
            ik = plsc.load_gather(dense_idx, [kk])

            def r_chunk(c, acc):
                bc = dense_bits[pl.ds(c * 16, 16)]
                ic = dense_idx[pl.ds(c * 16, 16)]
                vm = (c * 16 + lane) < ca
                lt = ((bc < bk) | ((bc == bk) & (ic < ik))) & vm
                return acc + jnp.sum(lt.astype(jnp.int32))

            rk = lax.fori_loop(0, 13, r_chunk, jnp.int32(0))
            plsc.store_scatter(dense_out, [jnp.where(lane == 0, rk, 0)],
                               ik, mask=lane == 0)
            return 0

        lax.fori_loop(0, ca, rank_k, 0)

        def b_tile(w, offb2):
            nbw = count_of(w, 1)

            def b_chunk(c, ob):
                def app(ob2):
                    v = allB_idx[pl.ds(w * CAP + c * 16, 16)]
                    m = (c * 16 + lane) < nbw
                    pos = plsc.cumsum(m.astype(jnp.int32)) - 1
                    m2 = m & ((ob2 + pos) < need2)
                    slots = ca + ob2 + pos
                    plsc.store_scatter(dense_out, [slots], v, mask=m2)
                    return ob2 + jnp.sum(m2.astype(jnp.int32))
                return lax.cond(c * 16 < nbw, app, lambda o: o, ob)

            return lax.fori_loop(0, CAP // 16, b_chunk, offb2)

        lax.fori_loop(0, NT, b_tile, jnp.int32(0))

        def fill_pad(c, _):
            byidx_v[pl.ds(c * 16, 16)] = jnp.full((16,), IDX_PAD, jnp.int32)
            byslot_v[pl.ds(c * 16, 16)] = jnp.full((16,), 0, jnp.int32)
            return 0

        lax.fori_loop(0, CAP // 16, fill_pad, 0)

        def rank2_k(k, _):
            kk = jnp.full((16,), 0, jnp.int32) + k
            ik = plsc.load_gather(dense_out, [kk])

            def r_chunk(c, acc):
                ic = dense_out[pl.ds(c * 16, 16)]
                vm = (c * 16 + lane) < S
                lt = (ic < ik) & vm
                return acc + jnp.sum(lt.astype(jnp.int32))

            rk = lax.fori_loop(0, 13, r_chunk, jnp.int32(0))
            m0 = lane == 0
            plsc.store_scatter(byidx_v, [jnp.where(m0, rk, 0)], ik, mask=m0)
            plsc.store_scatter(byslot_v, [jnp.where(m0, rk, 0)],
                               jnp.full((16,), 0, jnp.int32) + k, mask=m0)
            return 0

        lax.fori_loop(0, S, rank2_k, 0)

        pltpu.sync_copy(byidx_v, idx_out)
        pltpu.sync_copy(byslot_v, slot_out)


def _copy_apply_body(idx_ref, slot_ref, buf_ref, pri_ref, x_ref, prio_ref,
                     out_buf_ref, out_pri_ref, ptr_ref):
    b = pl.program_id(0)

    @pl.when(b == 0)
    def _():
        ptr_ref[0] = 0

    out_buf_ref[...] = buf_ref[...]
    out_pri_ref[...] = pri_ref[...]

    hi = (b + 1) * COPY_ROWS
    lo = b * COPY_ROWS
    iot = lax.broadcasted_iota(jnp.int32, (1, 1, COPY_ROWS), 2)

    def w_cond(p):
        return jnp.logical_and(p < S, idx_ref[p] < hi)

    def w_body(p):
        r = idx_ref[p] - lo
        j = slot_ref[p]
        out_buf_ref[pl.ds(r, 1), :] = x_ref[pl.ds(j, 1), :]
        pj = jnp.sum(prio_ref[pl.ds(j, 1), :])
        cur = out_pri_ref[...]
        out_pri_ref[...] = jnp.where(iot == r, pj, cur)
        return p + 1

    ptr_ref[0] = lax.while_loop(w_cond, w_body, ptr_ref[0])


def kernel(input_data, buffer, priorities, W1, b1, W2, b2):
    x_last = input_data[-1]
    pbits = lax.bitcast_convert_type(priorities, jnp.int32)
    pb2d = jnp.concatenate(
        [pbits, jnp.full((PAD_N - N,), SENTINEL, jnp.int32)]
    ).reshape(PAD_ROWS, 128)

    thr, prio = pl.pallas_call(
        _thresh_prio_body,
        in_specs=[
            pl.BlockSpec(memory_space=pltpu.VMEM),
            pl.BlockSpec(memory_space=pltpu.VMEM),
            pl.BlockSpec(memory_space=pltpu.VMEM),
            pl.BlockSpec(memory_space=pltpu.VMEM),
            pl.BlockSpec(memory_space=pltpu.VMEM),
            pl.BlockSpec(memory_space=pltpu.VMEM),
        ],
        out_specs=[
            pl.BlockSpec(memory_space=pltpu.SMEM),
            pl.BlockSpec(memory_space=pltpu.VMEM),
        ],
        out_shape=[
            jax.ShapeDtypeStruct((16,), jnp.int32),
            jax.ShapeDtypeStruct((CAP, 1), jnp.float32),
        ],
    )(pb2d, x_last, W1, b1.reshape(1, D), W2, b2.reshape(1, 1))

    mesh = plsc.VectorSubcoreMesh(core_axis_name="c", subcore_axis_name="s",
                                  num_cores=1, num_subcores=NT)
    sc = pl.kernel(
        _sc_body,
        out_type=[
            jax.ShapeDtypeStruct((CAP,), jnp.int32),
            jax.ShapeDtypeStruct((CAP,), jnp.int32),
        ],
        mesh=mesh,
        scratch_types=[
            pltpu.VMEM((SH_LAST,), jnp.float32),
            pltpu.VMEM((CAP,), jnp.int32),
            pltpu.VMEM((CAP,), jnp.int32),
            pltpu.VMEM((CAP,), jnp.int32),
            pltpu.VMEM((16,), jnp.int32),
            pltpu.VMEM((16,), jnp.int32),
            pltpu.VMEM((CAP,), jnp.int32),
            pltpu.VMEM((CAP,), jnp.int32),
            pltpu.VMEM((CAP,), jnp.int32),
            pltpu.VMEM((CAP,), jnp.int32),
            pltpu.VMEM((CAP,), jnp.int32),
            pltpu.VMEM((NT * CAP,), jnp.int32),
            pltpu.VMEM((NT * CAP,), jnp.int32),
            pltpu.VMEM((NT * CAP,), jnp.int32),
            pltpu.VMEM((NT * 16,), jnp.int32),
            pltpu.VMEM_SHARED((NT * CAP,), jnp.int32),
            pltpu.VMEM_SHARED((NT * CAP,), jnp.int32),
            pltpu.VMEM_SHARED((NT * CAP,), jnp.int32),
            pltpu.VMEM_SHARED((NT * 16,), jnp.int32),
        ],
        compiler_params=pltpu.CompilerParams(needs_layout_passes=False),
    )
    idx_byidx, slot_byidx = sc(priorities, thr)

    out_buf, out_pri = pl.pallas_call(
        _copy_apply_body,
        grid=(COPY_BLOCKS,),
        in_specs=[
            pl.BlockSpec(memory_space=pltpu.SMEM),
            pl.BlockSpec(memory_space=pltpu.SMEM),
            pl.BlockSpec((COPY_ROWS, D), lambda i: (i, 0)),
            pl.BlockSpec((1, 1, COPY_ROWS), lambda i: (i, 0, 0)),
            pl.BlockSpec((S, D), lambda i: (0, 0)),
            pl.BlockSpec((CAP, 1), lambda i: (0, 0)),
        ],
        out_specs=[
            pl.BlockSpec((COPY_ROWS, D), lambda i: (i, 0)),
            pl.BlockSpec((1, 1, COPY_ROWS), lambda i: (i, 0, 0)),
        ],
        out_shape=[
            jax.ShapeDtypeStruct((N, D), jnp.float32),
            jax.ShapeDtypeStruct((COPY_BLOCKS, 1, COPY_ROWS), jnp.float32),
        ],
        scratch_shapes=[pltpu.SMEM((1,), jnp.int32)],
        compiler_params=pltpu.CompilerParams(
            dimension_semantics=("arbitrary",)),
    )(idx_byidx, slot_byidx, buffer,
      priorities.reshape(COPY_BLOCKS, 1, COPY_ROWS), x_last, prio)

    return out_buf, out_pri.reshape(N)

# --- scband reference (transcript-rebuilt; emitter-appended) ---
"""Pipeline reference for scband-working-memory-buffer-34583076667455 (READ-ONLY COPY).

The authoritative reference and input builder live on the scoring server;
editing this copy changes nothing except your own understanding.
"""

import jax, jax.numpy as jnp
import numpy as np

BUFFER_SIZE = 1000000
MEMORY_DIM = 64
BATCH = 8
SEQ = 200

def setup_inputs(seed: int = 0) -> dict:
    key = jax.random.key(seed)
    k1, k2, k3, k4, k5, k6, k7 = jax.random.split(key, 7)
    input_data = jax.random.normal(k1, (BATCH, SEQ, MEMORY_DIM), dtype=jnp.float32)
    # learned parameters / persistent state of the module
    buffer = jax.random.normal(k2, (BUFFER_SIZE, MEMORY_DIM), dtype=jnp.float32) * 0.02
    priorities = jax.random.uniform(k3, (BUFFER_SIZE,), dtype=jnp.float32)
    # priority_net: Linear(2D -> D), ReLU, Linear(D -> 1), Sigmoid
    W1 = jax.random.normal(k4, (2 * MEMORY_DIM, MEMORY_DIM), dtype=jnp.float32) * (1.0 / np.sqrt(2 * MEMORY_DIM))
    b1 = jnp.zeros((MEMORY_DIM,), dtype=jnp.float32)
    W2 = jax.random.normal(k5, (MEMORY_DIM, 1), dtype=jnp.float32) * (1.0 / np.sqrt(MEMORY_DIM))
    b2 = jnp.zeros((1,), dtype=jnp.float32)
    return {"input_data": input_data, "buffer": buffer, "priorities": priorities,
            "W1": W1, "b1": b1, "W2": W2, "b2": b2}

def reference(input_data, buffer, priorities, W1, b1, W2, b2):
    # WorkingMemoryBuffer.write(input_data, priority=None)
    B, S, D = input_data.shape
    # priority = priority_net(cat([x, x], dim=-1)).squeeze(-1)
    x2 = jnp.concatenate([input_data, input_data], axis=-1)          # [B, S, 2D]
    h = jax.nn.relu(jnp.einsum('bsd,df->bsf', x2, W1) + b1)          # [B, S, D]
    prio = jax.nn.sigmoid(jnp.einsum('bsf,fo->bso', h, W2) + b2)     # [B, S, 1]
    prio = jnp.squeeze(prio, axis=-1)                                # [B, S]
    # indices of the S lowest-priority slots (same for every batch row,
    # matching priorities.expand(batch, -1).topk(k=S, largest=False))
    _, indices = jax.lax.top_k(-priorities, S)                       # [S]
    buf = buffer
    pri = priorities
    for b in range(B):
        buf = buf.at[indices].set(input_data[b])
        pri = pri.at[indices].set(prio[b])
    return buf, pri

if __name__ == "__main__":
    import jax
    _d = setup_inputs()
    print(jax.jit(kernel)(*tuple(_d.values())))

</pallas_src>

<mosaic_0001>
#map = affine_map<(d0, d1) -> (0)>
module attributes {stable_mosaic.version = 14 : i64} {
  func.func @_sc_body(%arg0: i32, %arg1: i32, %arg2: memref<1000000xf32, #tpu.memory_space<hbm>>, %arg3: memref<16xi32, #tpu.memory_space<hbm>>, %arg4: memref<256xi32, #tpu.memory_space<hbm>>, %arg5: memref<256xi32, #tpu.memory_space<hbm>>, %arg6: memref<62560xf32, #tpu.memory_space<vmem>>, %arg7: memref<256xi32, #tpu.memory_space<vmem>>, %arg8: memref<256xi32, #tpu.memory_space<vmem>>, %arg9: memref<256xi32, #tpu.memory_space<vmem>>, %arg10: memref<16xi32, #tpu.memory_space<vmem>>, %arg11: memref<16xi32, #tpu.memory_space<vmem>>, %arg12: memref<256xi32, #tpu.memory_space<vmem>>, %arg13: memref<256xi32, #tpu.memory_space<vmem>>, %arg14: memref<256xi32, #tpu.memory_space<vmem>>, %arg15: memref<256xi32, #tpu.memory_space<vmem>>, %arg16: memref<256xi32, #tpu.memory_space<vmem>>, %arg17: memref<4096xi32, #tpu.memory_space<vmem>>, %arg18: memref<4096xi32, #tpu.memory_space<vmem>>, %arg19: memref<4096xi32, #tpu.memory_space<vmem>>, %arg20: memref<256xi32, #tpu.memory_space<vmem>>, %arg21: memref<4096xi32, #tpu.memory_space<vmem_shared>>, %arg22: memref<4096xi32, #tpu.memory_space<vmem_shared>>, %arg23: memref<4096xi32, #tpu.memory_space<vmem_shared>>, %arg24: memref<256xi32, #tpu.memory_space<vmem_shared>>) attributes {dimension_semantics = [#tpu.dimension_semantics<core_parallel>, #tpu.dimension_semantics<subcore_parallel>], iteration_bounds = array<i64: 1, 16>, scalar_prefetch = 0 : i64, scratch_operands = 19 : i64, tpu.core_type = #tpu.core_type<sc_vector_subcore>, window_params = [{transform_indices = #map}, {transform_indices = #map}, {transform_indices = #map}, {transform_indices = #map}]} {
    %iota3A = tpu.iota {dimensions = array<i32: 0>} : vector<16xi32>
    %mul3A = arith.constant 62496 : i32
    %mul3A_0 = arith.muli %arg1, %mul3A : i32
    %eq3A = arith.constant 15 : i32
    %eq3A_1 = arith.cmpi eq, %arg1, %eq3A : i32
    %not3A = arith.constant true
    %not3A_2 = arith.xori %eq3A_1, %not3A : i1
    %convert_element_type3A = arith.extui %not3A_2 : i1 to i32
    %cond3A = arith.constant 0 : i32
    %cond3A_3 = arith.cmpi ne, %convert_element_type3A, %cond3A : i32
    scf.if %cond3A_3 {
      "tpu.region"() ({
        %run_scoped3A = tpu.sem_alloc : memref<!tpu.dma_semaphore, #tpu.memory_space<semaphore_mem>>
        %dma_start3A = arith.constant 0 : i32
        %dma_start3A_70 = tpu.memref_slice %arg6[%dma_start3A] : memref<62560xf32, #tpu.memory_space<vmem>> -> memref<62496xf32, #tpu.memory_space<vmem>>
        %dma_start3A_71 = tpu.memref_slice %arg2[%mul3A_0] : memref<1000000xf32, #tpu.memory_space<hbm>> -> memref<62496xf32, #tpu.memory_space<hbm>>
        %dma_start3A_72 = arith.constant 0 : i32
        %dma_start3A_73 = tpu.memref_slice %arg6[%dma_start3A_72] : memref<62560xf32, #tpu.memory_space<vmem>> -> memref<62496xf32, #tpu.memory_space<vmem>>
        %dma_start3A_74 = tpu.memref_slice %arg2[%mul3A_0] : memref<1000000xf32, #tpu.memory_space<hbm>> -> memref<62496xf32, #tpu.memory_space<hbm>>
        tpu.enqueue_dma source(%dma_start3A_74 : memref<62496xf32, #tpu.memory_space<hbm>>) target(%dma_start3A_73 : memref<62496xf32, #tpu.memory_space<vmem>>) target_semaphore(%run_scoped3A : memref<!tpu.dma_semaphore, #tpu.memory_space<semaphore_mem>>)
        %dma_wait3A = arith.constant 0 : i32
        %dma_wait3A_75 = tpu.memref_slice %arg6[%dma_wait3A] : memref<62560xf32, #tpu.memory_space<vmem>> -> memref<62496xf32, #tpu.memory_space<vmem>>
        %dma_wait3A_76 = tpu.memref_slice %arg2[%mul3A_0] : memref<1000000xf32, #tpu.memory_space<hbm>> -> memref<62496xf32, #tpu.memory_space<hbm>>
        %dma_wait3A_77 = arith.constant 0 : i32
        %dma_wait3A_78 = tpu.memref_slice %arg6[%dma_wait3A_77] : memref<62560xf32, #tpu.memory_space<vmem>> -> memref<62496xf32, #tpu.memory_space<vmem>>
        %dma_wait3A_79 = tpu.memref_slice %arg2[%mul3A_0] : memref<1000000xf32, #tpu.memory_space<hbm>> -> memref<62496xf32, #tpu.memory_space<hbm>>
        tpu.wait_dma2 semaphore(%run_scoped3A : memref<!tpu.dma_semaphore, #tpu.memory_space<semaphore_mem>>) src(%dma_wait3A_79 : memref<62496xf32, #tpu.memory_space<hbm>>) dst(%dma_wait3A_78 : memref<62496xf32, #tpu.memory_space<vmem>>)
        tpu.yield
      }) : () -> ()
    } else {
    }
    %convert_element_type3A_4 = arith.extui %eq3A_1 : i1 to i32
    %cond3A_5 = arith.constant 0 : i32
    %cond3A_6 = arith.cmpi ne, %convert_element_type3A_4, %cond3A_5 : i32
    scf.if %cond3A_6 {
      "tpu.region"() ({
        %run_scoped3A = tpu.sem_alloc : memref<!tpu.dma_semaphore, #tpu.memory_space<semaphore_mem>>
        %dma_start3A = arith.constant 0 : i32
        %dma_start3A_70 = tpu.memref_slice %arg6[%dma_start3A] : memref<62560xf32, #tpu.memory_space<vmem>> -> memref<62560xf32, #tpu.memory_space<vmem>>
        %dma_start3A_71 = arith.constant 937440 : i32
        %dma_start3A_72 = tpu.memref_slice %arg2[%dma_start3A_71] : memref<1000000xf32, #tpu.memory_space<hbm>> -> memref<62560xf32, #tpu.memory_space<hbm>>
        %dma_start3A_73 = arith.constant 0 : i32
        %dma_start3A_74 = tpu.memref_slice %arg6[%dma_start3A_73] : memref<62560xf32, #tpu.memory_space<vmem>> -> memref<62560xf32, #tpu.memory_space<vmem>>
        %dma_start3A_75 = arith.constant 937440 : i32
        %dma_start3A_76 = tpu.memref_slice %arg2[%dma_start3A_75] : memref<1000000xf32, #tpu.memory_space<hbm>> -> memref<62560xf32, #tpu.memory_space<hbm>>
        tpu.enqueue_dma source(%dma_start3A_76 : memref<62560xf32, #tpu.memory_space<hbm>>) target(%dma_start3A_74 : memref<62560xf32, #tpu.memory_space<vmem>>) target_semaphore(%run_scoped3A : memref<!tpu.dma_semaphore, #tpu.memory_space<semaphore_mem>>)
        %dma_wait3A = arith.constant 0 : i32
        %dma_wait3A_77 = tpu.memref_slice %arg6[%dma_wait3A] : memref<62560xf32, #tpu.memory_space<vmem>> -> memref<62560xf32, #tpu.memory_space<vmem>>
        %dma_wait3A_78 = arith.constant 937440 : i32
        %dma_wait3A_79 = tpu.memref_slice %arg2[%dma_wait3A_78] : memref<1000000xf32, #tpu.memory_space<hbm>> -> memref<62560xf32, #tpu.memory_space<hbm>>
        %dma_wait3A_80 = arith.constant 0 : i32
        %dma_wait3A_81 = tpu.memref_slice %arg6[%dma_wait3A_80] : memref<62560xf32, #tpu.memory_space<vmem>> -> memref<62560xf32, #tpu.memory_space<vmem>>
        %dma_wait3A_82 = arith.constant 937440 : i32
        %dma_wait3A_83 = tpu.memref_slice %arg2[%dma_wait3A_82] : memref<1000000xf32, #tpu.memory_space<hbm>> -> memref<62560xf32, #tpu.memory_space<hbm>>
        tpu.wait_dma2 semaphore(%run_scoped3A : memref<!tpu.dma_semaphore, #tpu.memory_space<semaphore_mem>>) src(%dma_wait3A_83 : memref<62560xf32, #tpu.memory_space<hbm>>) dst(%dma_wait3A_81 : memref<62560xf32, #tpu.memory_space<vmem>>)
        tpu.yield
      }) : () -> ()
    } else {
    }
    "tpu.region"() ({
      %run_scoped3A = tpu.sem_alloc : memref<!tpu.dma_semaphore, #tpu.memory_space<semaphore_mem>>
      tpu.enqueue_dma source(%arg3 : memref<16xi32, #tpu.memory_space<hbm>>) target(%arg10 : memref<16xi32, #tpu.memory_space<vmem>>) target_semaphore(%run_scoped3A : memref<!tpu.dma_semaphore, #tpu.memory_space<semaphore_mem>>)
      tpu.wait_dma2 semaphore(%run_scoped3A : memref<!tpu.dma_semaphore, #tpu.memory_space<semaphore_mem>>) src(%arg3 : memref<16xi32, #tpu.memory_space<hbm>>) dst(%arg10 : memref<16xi32, #tpu.memory_space<vmem>>)
      tpu.yield
    }) : () -> ()
    %get3A = arith.constant 0 : index
    %get3A_7 = tpu.vector_load %arg10[%get3A] {strides = array<i32>} : memref<16xi32, #tpu.memory_space<vmem>>, vector<16xi32>,
    %eq3A_8 = arith.constant 0 : i32
    %eq3A_9 = vector.broadcast %eq3A_8 : i32 to vector<16xi32>
    %eq3A_10 = arith.cmpi eq, %iota3A, %eq3A_9 : vector<16xi32>
    %jit3A = arith.constant 0 : i32
    %broadcast_in_dim3A = vector.broadcast %jit3A : i32 to vector<16xi32>
    %select_n3A = arith.select %eq3A_10, %get3A_7, %broadcast_in_dim3A : vector<16xi1>, vector<16xi32>
    %reduce_sum3A = arith.constant true
    %reduce_sum3A_11 = vector.broadcast %reduce_sum3A : i1 to vector<16xi1>
    %reduce_sum3A_12 = tpu.scan <sum>, %select_n3A masked %reduce_sum3A_11 : vector<16xi32>, vector<16xi1> -> vector<16xi32>
    %reduce_sum3A_13 = vector.extract %reduce_sum3A_12[15] : i32 from vector<16xi32>
    %eq3A_14 = arith.constant 2 : i32
    %eq3A_15 = vector.broadcast %eq3A_14 : i32 to vector<16xi32>
    %eq3A_16 = arith.cmpi eq, %iota3A, %eq3A_15 : vector<16xi32>
    %jit3A_17 = arith.constant 0 : i32
    %broadcast_in_dim3A_18 = vector.broadcast %jit3A_17 : i32 to vector<16xi32>
    %select_n3A_19 = arith.select %eq3A_16, %get3A_7, %broadcast_in_dim3A_18 : vector<16xi1>, vector<16xi32>
    %reduce_sum3A_20 = arith.constant true
    %reduce_sum3A_21 = vector.broadcast %reduce_sum3A_20 : i1 to vector<16xi1>
    %reduce_sum3A_22 = tpu.scan <sum>, %select_n3A_19 masked %reduce_sum3A_21 : vector<16xi32>, vector<16xi1> -> vector<16xi32>
    %reduce_sum3A_23 = vector.extract %reduce_sum3A_22[15] : i32 from vector<16xi32>
    %jit3A_24 = arith.constant 62560 : i32
    %jit3A_25 = arith.constant 62496 : i32
    %select_n3A_26 = arith.select %eq3A_1, %jit3A_24, %jit3A_25 : i32
    %jit3A_27 = arith.constant 3910 : i32
    %jit3A_28 = arith.constant 3906 : i32
    %select_n3A_29 = arith.select %eq3A_1, %jit3A_27, %jit3A_28 : i32
    %while3A = arith.constant 0 : i32
    %while3A_30 = arith.constant 0 : i32
    %while3A_31 = arith.constant 0 : i32
    %while3A_32 = arith.subi %select_n3A_29, %while3A : i32
    %while3A_33 = arith.addi %while3A, %while3A_32 : i32
    %while3A_34 = arith.constant 1 : i32
    %while3A_35 = arith.divsi %while3A_32, %while3A_34 : i32
    %while3A_36 = arith.muli %while3A_35, %while3A_34 : i32
    %while3A_37 = arith.addi %while3A, %while3A_36 : i32
    %while3A_38 = arith.constant 1 : i32
    %while3A_39:2 = scf.for %while3A_70 = %while3A to %while3A_37 step %while3A_38 iter_args(%while3A_71 = %while3A_30, %while3A_72 = %while3A_31) -> (i32, i32)  : i32 {
      %mul3A_73 = arith.constant 16 : i32
      %mul3A_74 = arith.muli %while3A_70, %mul3A_73 : i32
      %get3A_75 = arith.index_cast %mul3A_74 : i32 to index
      %get3A_76 = tpu.vector_load %arg6[%get3A_75] {strides = array<i32>} : memref<62560xf32, #tpu.memory_space<vmem>>, vector<16xf32>,
      %bitcast3A = vector.bitcast %get3A_76 : vector<16xf32> to vector<16xi32>
      %mul3A_77 = arith.constant 16 : i32
      %mul3A_78 = arith.muli %while3A_70, %mul3A_77 : i32
      %add3A_79 = vector.broadcast %mul3A_78 : i32 to vector<16xi32>
      %add3A_80 = arith.addi %add3A_79, %iota3A : vector<16xi32>
      %lt3A = vector.broadcast %select_n3A_26 : i32 to vector<16xi32>
      %lt3A_81 = arith.cmpi slt, %add3A_80, %lt3A : vector<16xi32>
      %lt3A_82 = vector.broadcast %reduce_sum3A_13 : i32 to vector<16xi32>
      %lt3A_83 = arith.cmpi slt, %bitcast3A, %lt3A_82 : vector<16xi32>
      %and3A = arith.andi %lt3A_83, %lt3A_81 : vector<16xi1>
      %eq3A_84 = vector.broadcast %reduce_sum3A_13 : i32 to vector<16xi32>
      %eq3A_85 = arith.cmpi eq, %bitcast3A, %eq3A_84 : vector<16xi32>
      %and3A_86 = arith.andi %eq3A_85, %lt3A_81 : vector<16xi1>
      %or3A = arith.ori %and3A, %and3A_86 : vector<16xi1>
      %reduce_or3A = arith.constant 1.000000e+00 : f32
      %reduce_or3A_87 = arith.constant 0.000000e+00 : f32
      %reduce_or3A_88 = vector.broadcast %reduce_or3A : f32 to vector<16xf32>
      %reduce_or3A_89 = vector.broadcast %reduce_or3A_87 : f32 to vector<16xf32>
      %reduce_or3A_90 = arith.select %or3A, %reduce_or3A_88, %reduce_or3A_89 : vector<16xi1>, vector<16xf32>
      %reduce_or3A_91 = arith.constant true
      %reduce_or3A_92 = vector.broadcast %reduce_or3A_91 : i1 to vector<16xi1>
      %reduce_or3A_93 = tpu.scan <max>, %reduce_or3A_90 masked %reduce_or3A_92 : vector<16xf32>, vector<16xi1> -> vector<16xf32>
      %reduce_or3A_94 = vector.extract %reduce_or3A_93[15] : f32 from vector<16xf32>
      %reduce_or3A_95 = arith.constant 0.000000e+00 : f32
      %reduce_or3A_96 = arith.cmpf ogt, %reduce_or3A_94, %reduce_or3A_95 : f32
      %convert_element_type3A_97 = arith.extui %reduce_or3A_96 : i1 to i32
      %cond3A_98 = arith.constant 0 : i32
      %cond3A_99 = arith.cmpi ne, %convert_element_type3A_97, %cond3A_98 : i32
      %cond3A_100:2 = scf.if %cond3A_99 -> (i32, i32) {
        %add3A_101 = vector.broadcast %mul3A_0 : i32 to vector<16xi32>
        %add3A_102 = arith.addi %add3A_101, %add3A_80 : vector<16xi32>
        %swap3A_103 = arith.index_cast %while3A_71 : i32 to index
        %swap3A_104 = tpu.vector_load %arg7[%swap3A_103] masked %and3A {strides = array<i32>} : memref<256xi32, #tpu.memory_space<vmem>>, vector<16xi32>, vector<16xi1>
        tpu.vector_store %arg7[%swap3A_103], %add3A_102 masked %and3A {strides = array<i32>} : memref<256xi32, #tpu.memory_space<vmem>>, vector<16xi32>, vector<16xi1>
        %swap3A_105 = arith.index_cast %while3A_71 : i32 to index
        %swap3A_106 = tpu.vector_load %arg8[%swap3A_105] masked %and3A {strides = array<i32>} : memref<256xi32, #tpu.memory_space<vmem>>, vector<16xi32>, vector<16xi1>
        tpu.vector_store %arg8[%swap3A_105], %bitcast3A masked %and3A {strides = array<i32>} : memref<256xi32, #tpu.memory_space<vmem>>, vector<16xi32>, vector<16xi1>
        %convert_element_type3A_107 = arith.extui %and3A : vector<16xi1> to vector<16xi32>
        %reduce_sum3A_108 = arith.constant true
        %reduce_sum3A_109 = vector.broadcast %reduce_sum3A_108 : i1 to vector<16xi1>
        %reduce_sum3A_110 = tpu.scan <sum>, %convert_element_type3A_107 masked %reduce_sum3A_109 : vector<16xi32>, vector<16xi1> -> vector<16xi32>
        %reduce_sum3A_111 = vector.extract %reduce_sum3A_110[15] : i32 from vector<16xi32>
        %convert_element_type3A_112 = arith.extui %and3A_86 : vector<16xi1> to vector<16xi32>
        %broadcast_in_dim3A_113 = arith.constant true
        %broadcast_in_dim3A_114 = vector.broadcast %broadcast_in_dim3A_113 : i1 to vector<16xi1>
        %masked_cumsum3A = tpu.scan <sum>, %convert_element_type3A_112 masked %broadcast_in_dim3A_114 : vector<16xi32>, vector<16xi1> -> vector<16xi32>
        %sub3A = arith.constant 1 : i32
        %sub3A_115 = vector.broadcast %sub3A : i32 to vector<16xi32>
        %sub3A_116 = arith.subi %masked_cumsum3A, %sub3A_115 : vector<16xi32>
        %add3A_117 = vector.broadcast %while3A_72 : i32 to vector<16xi32>
        %add3A_118 = arith.addi %add3A_117, %sub3A_116 : vector<16xi32>
        %lt3A_119 = vector.broadcast %reduce_sum3A_23 : i32 to vector<16xi32>
        %lt3A_120 = arith.cmpi slt, %add3A_118, %lt3A_119 : vector<16xi32>
        %and3A_121 = arith.andi %and3A_86, %lt3A_120 : vector<16xi1>
        %swap3A_122 = arith.index_cast %while3A_72 : i32 to index
        %swap3A_123 = tpu.vector_load %arg9[%swap3A_122] masked %and3A_121 {strides = array<i32>} : memref<256xi32, #tpu.memory_space<vmem>>, vector<16xi32>, vector<16xi1>
        tpu.vector_store %arg9[%swap3A_122], %add3A_102 masked %and3A_121 {strides = array<i32>} : memref<256xi32, #tpu.memory_space<vmem>>, vector<16xi32>, vector<16xi1>
        %convert_element_type3A_124 = arith.extui %and3A_121 : vector<16xi1> to vector<16xi32>
        %reduce_sum3A_125 = arith.constant true
        %reduce_sum3A_126 = vector.broadcast %reduce_sum3A_125 : i1 to vector<16xi1>
        %reduce_sum3A_127 = tpu.scan <sum>, %convert_element_type3A_124 masked %reduce_sum3A_126 : vector<16xi32>, vector<16xi1> -> vector<16xi32>
        %reduce_sum3A_128 = vector.extract %reduce_sum3A_127[15] : i32 from vector<16xi32>
        %add3A_129 = arith.addi %while3A_71, %reduce_sum3A_111 : i32
        %add3A_130 = arith.addi %while3A_72, %reduce_sum3A_128 : i32
        scf.yield %add3A_129, %add3A_130 : i32, i32
      } else {
        scf.yield %while3A_71, %while3A_72 : i32, i32
      }
      scf.yield %cond3A_100#0, %cond3A_100#1 : i32, i32
    }
    %while3A_40 = arith.constant 1 : i32
    %while3A_41:2 = scf.for %while3A_70 = %while3A_37 to %while3A_33 step %while3A_40 iter_args(%while3A_71 = %while3A_39#0, %while3A_72 = %while3A_39#1) -> (i32, i32)  : i32 {
      %mul3A_73 = arith.constant 16 : i32
      %mul3A_74 = arith.muli %while3A_70, %mul3A_73 : i32
      %get3A_75 = arith.index_cast %mul3A_74 : i32 to index
      %get3A_76 = tpu.vector_load %arg6[%get3A_75] {strides = array<i32>} : memref<62560xf32, #tpu.memory_space<vmem>>, vector<16xf32>,
      %bitcast3A = vector.bitcast %get3A_76 : vector<16xf32> to vector<16xi32>
      %mul3A_77 = arith.constant 16 : i32
      %mul3A_78 = arith.muli %while3A_70, %mul3A_77 : i32
      %add3A_79 = vector.broadcast %mul3A_78 : i32 to vector<16xi32>
      %add3A_80 = arith.addi %add3A_79, %iota3A : vector<16xi32>
      %lt3A = vector.broadcast %select_n3A_26 : i32 to vector<16xi32>
      %lt3A_81 = arith.cmpi slt, %add3A_80, %lt3A : vector<16xi32>
      %lt3A_82 = vector.broadcast %reduce_sum3A_13 : i32 to vector<16xi32>
      %lt3A_83 = arith.cmpi slt, %bitcast3A, %lt3A_82 : vector<16xi32>
      %and3A = arith.andi %lt3A_83, %lt3A_81 : vector<16xi1>
      %eq3A_84 = vector.broadcast %reduce_sum3A_13 : i32 to vector<16xi32>
      %eq3A_85 = arith.cmpi eq, %bitcast3A, %eq3A_84 : vector<16xi32>
      %and3A_86 = arith.andi %eq3A_85, %lt3A_81 : vector<16xi1>
      %or3A = arith.ori %and3A, %and3A_86 : vector<16xi1>
      %reduce_or3A = arith.constant 1.000000e+00 : f32
      %reduce_or3A_87 = arith.constant 0.000000e+00 : f32
      %reduce_or3A_88 = vector.broadcast %reduce_or3A : f32 to vector<16xf32>
      %reduce_or3A_89 = vector.broadcast %reduce_or3A_87 : f32 to vector<16xf32>
      %reduce_or3A_90 = arith.select %or3A, %reduce_or3A_88, %reduce_or3A_89 : vector<16xi1>, vector<16xf32>
      %reduce_or3A_91 = arith.constant true
      %reduce_or3A_92 = vector.broadcast %reduce_or3A_91 : i1 to vector<16xi1>
      %reduce_or3A_93 = tpu.scan <max>, %reduce_or3A_90 masked %reduce_or3A_92 : vector<16xf32>, vector<16xi1> -> vector<16xf32>
      %reduce_or3A_94 = vector.extract %reduce_or3A_93[15] : f32 from vector<16xf32>
      %reduce_or3A_95 = arith.constant 0.000000e+00 : f32
      %reduce_or3A_96 = arith.cmpf ogt, %reduce_or3A_94, %reduce_or3A_95 : f32
      %convert_element_type3A_97 = arith.extui %reduce_or3A_96 : i1 to i32
      %cond3A_98 = arith.constant 0 : i32
      %cond3A_99 = arith.cmpi ne, %convert_element_type3A_97, %cond3A_98 : i32
      %cond3A_100:2 = scf.if %cond3A_99 -> (i32, i32) {
        %add3A_101 = vector.broadcast %mul3A_0 : i32 to vector<16xi32>
        %add3A_102 = arith.addi %add3A_101, %add3A_80 : vector<16xi32>
        %swap3A_103 = arith.index_cast %while3A_71 : i32 to index
        %swap3A_104 = tpu.vector_load %arg7[%swap3A_103] masked %and3A {strides = array<i32>} : memref<256xi32, #tpu.memory_space<vmem>>, vector<16xi32>, vector<16xi1>
        tpu.vector_store %arg7[%swap3A_103], %add3A_102 masked %and3A {strides = array<i32>} : memref<256xi32, #tpu.memory_space<vmem>>, vector<16xi32>, vector<16xi1>
        %swap3A_105 = arith.index_cast %while3A_71 : i32 to index
        %swap3A_106 = tpu.vector_load %arg8[%swap3A_105] masked %and3A {strides = array<i32>} : memref<256xi32, #tpu.memory_space<vmem>>, vector<16xi32>, vector<16xi1>
        tpu.vector_store %arg8[%swap3A_105], %bitcast3A masked %and3A {strides = array<i32>} : memref<256xi32, #tpu.memory_space<vmem>>, vector<16xi32>, vector<16xi1>
        %convert_element_type3A_107 = arith.extui %and3A : vector<16xi1> to vector<16xi32>
        %reduce_sum3A_108 = arith.constant true
        %reduce_sum3A_109 = vector.broadcast %reduce_sum3A_108 : i1 to vector<16xi1>
        %reduce_sum3A_110 = tpu.scan <sum>, %convert_element_type3A_107 masked %reduce_sum3A_109 : vector<16xi32>, vector<16xi1> -> vector<16xi32>
        %reduce_sum3A_111 = vector.extract %reduce_sum3A_110[15] : i32 from vector<16xi32>
        %convert_element_type3A_112 = arith.extui %and3A_86 : vector<16xi1> to vector<16xi32>
        %broadcast_in_dim3A_113 = arith.constant true
        %broadcast_in_dim3A_114 = vector.broadcast %broadcast_in_dim3A_113 : i1 to vector<16xi1>
        %masked_cumsum3A = tpu.scan <sum>, %convert_element_type3A_112 masked %broadcast_in_dim3A_114 : vector<16xi32>, vector<16xi1> -> vector<16xi32>
        %sub3A = arith.constant 1 : i32
        %sub3A_115 = vector.broadcast %sub3A : i32 to vector<16xi32>
        %sub3A_116 = arith.subi %masked_cumsum3A, %sub3A_115 : vector<16xi32>
        %add3A_117 = vector.broadcast %while3A_72 : i32 to vector<16xi32>
        %add3A_118 = arith.addi %add3A_117, %sub3A_116 : vector<16xi32>
        %lt3A_119 = vector.broadcast %reduce_sum3A_23 : i32 to vector<16xi32>
        %lt3A_120 = arith.cmpi slt, %add3A_118, %lt3A_119 : vector<16xi32>
        %and3A_121 = arith.andi %and3A_86, %lt3A_120 : vector<16xi1>
        %swap3A_122 = arith.index_cast %while3A_72 : i32 to index
        %swap3A_123 = tpu.vector_load %arg9[%swap3A_122] masked %and3A_121 {strides = array<i32>} : memref<256xi32, #tpu.memory_space<vmem>>, vector<16xi32>, vector<16xi1>
        tpu.vector_store %arg9[%swap3A_122], %add3A_102 masked %and3A_121 {strides = array<i32>} : memref<256xi32, #tpu.memory_space<vmem>>, vector<16xi32>, vector<16xi1>
        %convert_element_type3A_124 = arith.extui %and3A_121 : vector<16xi1> to vector<16xi32>
        %reduce_sum3A_125 = arith.constant true
        %reduce_sum3A_126 = vector.broadcast %reduce_sum3A_125 : i1 to vector<16xi1>
        %reduce_sum3A_127 = tpu.scan <sum>, %convert_element_type3A_124 masked %reduce_sum3A_126 : vector<16xi32>, vector<16xi1> -> vector<16xi32>
        %reduce_sum3A_128 = vector.extract %reduce_sum3A_127[15] : i32 from vector<16xi32>
        %add3A_129 = arith.addi %while3A_71, %reduce_sum3A_111 : i32
        %add3A_130 = arith.addi %while3A_72, %reduce_sum3A_128 : i32
        scf.yield %add3A_129, %add3A_130 : i32, i32
      } else {
        scf.yield %while3A_71, %while3A_72 : i32, i32
      }
      scf.yield %cond3A_100#0, %cond3A_100#1 : i32, i32
    }
    %eq3A_42 = arith.constant 0 : i32
    %eq3A_43 = vector.broadcast %eq3A_42 : i32 to vector<16xi32>
    %eq3A_44 = arith.cmpi eq, %iota3A, %eq3A_43 : vector<16xi32>
    %jit3A_45 = arith.constant 0 : i32
    %broadcast_in_dim3A_46 = vector.broadcast %while3A_41#0 : i32 to vector<16xi32>
    %broadcast_in_dim3A_47 = vector.broadcast %jit3A_45 : i32 to vector<16xi32>
    %select_n3A_48 = arith.select %eq3A_44, %broadcast_in_dim3A_46, %broadcast_in_dim3A_47 : vector<16xi1>, vector<16xi32>
    %eq3A_49 = arith.constant 1 : i32
    %eq3A_50 = vector.broadcast %eq3A_49 : i32 to vector<16xi32>
    %eq3A_51 = arith.cmpi eq, %iota3A, %eq3A_50 : vector<16xi32>
    %jit3A_52 = arith.constant 0 : i32
    %broadcast_in_dim3A_53 = vector.broadcast %while3A_41#1 : i32 to vector<16xi32>
    %broadcast_in_dim3A_54 = vector.broadcast %jit3A_52 : i32 to vector<16xi32>
    %select_n3A_55 = arith.select %eq3A_51, %broadcast_in_dim3A_53, %broadcast_in_dim3A_54 : vector<16xi1>, vector<16xi32>
    %add3A = arith.addi %select_n3A_48, %select_n3A_55 : vector<16xi32>
    %swap3A = arith.constant 0 : index
    %swap3A_56 = tpu.vector_load %arg11[%swap3A] {strides = array<i32>} : memref<16xi32, #tpu.memory_space<vmem>>, vector<16xi32>,
    tpu.vector_store %arg11[%swap3A], %add3A {strides = array<i32>} : memref<16xi32, #tpu.memory_space<vmem>>, vector<16xi32>,
    %mul3A_57 = arith.constant 16 : i32
    %mul3A_58 = arith.muli %arg1, %mul3A_57 : i32
    "tpu.region"() ({
      %run_scoped3A = tpu.sem_alloc : memref<!tpu.dma_semaphore, #tpu.memory_space<semaphore_mem>>
      %dma_start3A = tpu.memref_slice %arg24[%mul3A_58] : memref<256xi32, #tpu.memory_space<vmem_shared>> -> memref<16xi32, #tpu.memory_space<vmem_shared>>
      %dma_start3A_70 = tpu.memref_slice %arg24[%mul3A_58] : memref<256xi32, #tpu.memory_space<vmem_shared>> -> memref<16xi32, #tpu.memory_space<vmem_shared>>
      tpu.enqueue_dma source(%arg11 : memref<16xi32, #tpu.memory_space<vmem>>) target(%dma_start3A_70 : memref<16xi32, #tpu.memory_space<vmem_shared>>) target_semaphore(%run_scoped3A : memref<!tpu.dma_semaphore, #tpu.memory_space<semaphore_mem>>)
      %dma_wait3A = tpu.memref_slice %arg24[%mul3A_58] : memref<256xi32, #tpu.memory_space<vmem_shared>> -> memref<16xi32, #tpu.memory_space<vmem_shared>>
      %dma_wait3A_71 = tpu.memref_slice %arg24[%mul3A_58] : memref<256xi32, #tpu.memory_space<vmem_shared>> -> memref<16xi32, #tpu.memory_space<vmem_shared>>
      tpu.wait_dma2 semaphore(%run_scoped3A : memref<!tpu.dma_semaphore, #tpu.memory_space<semaphore_mem>>) src(%arg11 : memref<16xi32, #tpu.memory_space<vmem>>) dst(%dma_wait3A_71 : memref<16xi32, #tpu.memory_space<vmem_shared>>)
      tpu.yield
    }) : () -> ()
    %mul3A_59 = arith.constant 256 : i32
    %mul3A_60 = arith.muli %arg1, %mul3A_59 : i32
    "tpu.region"() ({
      %run_scoped3A = tpu.sem_alloc : memref<!tpu.dma_semaphore, #tpu.memory_space<semaphore_mem>>
      %dma_start3A = tpu.memref_slice %arg21[%mul3A_60] : memref<4096xi32, #tpu.memory_space<vmem_shared>> -> memref<256xi32, #tpu.memory_space<vmem_shared>>
      %dma_start3A_70 = tpu.memref_slice %arg21[%mul3A_60] : memref<4096xi32, #tpu.memory_space<vmem_shared>> -> memref<256xi32, #tpu.memory_space<vmem_shared>>
      tpu.enqueue_dma source(%arg7 : memref<256xi32, #tpu.memory_space<vmem>>) target(%dma_start3A_70 : memref<256xi32, #tpu.memory_space<vmem_shared>>) target_semaphore(%run_scoped3A : memref<!tpu.dma_semaphore, #tpu.memory_space<semaphore_mem>>)
      %dma_wait3A = tpu.memref_slice %arg21[%mul3A_60] : memref<4096xi32, #tpu.memory_space<vmem_shared>> -> memref<256xi32, #tpu.memory_space<vmem_shared>>
      %dma_wait3A_71 = tpu.memref_slice %arg21[%mul3A_60] : memref<4096xi32, #tpu.memory_space<vmem_shared>> -> memref<256xi32, #tpu.memory_space<vmem_shared>>
      tpu.wait_dma2 semaphore(%run_scoped3A : memref<!tpu.dma_semaphore, #tpu.memory_space<semaphore_mem>>) src(%arg7 : memref<256xi32, #tpu.memory_space<vmem>>) dst(%dma_wait3A_71 : memref<256xi32, #tpu.memory_space<vmem_shared>>)
      tpu.yield
    }) : () -> ()
    %mul3A_61 = arith.constant 256 : i32
    %mul3A_62 = arith.muli %arg1, %mul3A_61 : i32
    "tpu.region"() ({
      %run_scoped3A = tpu.sem_alloc : memref<!tpu.dma_semaphore, #tpu.memory_space<semaphore_mem>>
      %dma_start3A = tpu.memref_slice %arg22[%mul3A_62] : memref<4096xi32, #tpu.memory_space<vmem_shared>> -> memref<256xi32, #tpu.memory_space<vmem_shared>>
      %dma_start3A_70 = tpu.memref_slice %arg22[%mul3A_62] : memref<4096xi32, #tpu.memory_space<vmem_shared>> -> memref<256xi32, #tpu.memory_space<vmem_shared>>
      tpu.enqueue_dma source(%arg8 : memref<256xi32, #tpu.memory_space<vmem>>) target(%dma_start3A_70 : memref<256xi32, #tpu.memory_space<vmem_shared>>) target_semaphore(%run_scoped3A : memref<!tpu.dma_semaphore, #tpu.memory_space<semaphore_mem>>)
      %dma_wait3A = tpu.memref_slice %arg22[%mul3A_62] : memref<4096xi32, #tpu.memory_space<vmem_shared>> -> memref<256xi32, #tpu.memory_space<vmem_shared>>
      %dma_wait3A_71 = tpu.memref_slice %arg22[%mul3A_62] : memref<4096xi32, #tpu.memory_space<vmem_shared>> -> memref<256xi32, #tpu.memory_space<vmem_shared>>
      tpu.wait_dma2 semaphore(%run_scoped3A : memref<!tpu.dma_semaphore, #tpu.memory_space<semaphore_mem>>) src(%arg8 : memref<256xi32, #tpu.memory_space<vmem>>) dst(%dma_wait3A_71 : memref<256xi32, #tpu.memory_space<vmem_shared>>)
      tpu.yield
    }) : () -> ()
    %mul3A_63 = arith.constant 256 : i32
    %mul3A_64 = arith.muli %arg1, %mul3A_63 : i32
    "tpu.region"() ({
      %run_scoped3A = tpu.sem_alloc : memref<!tpu.dma_semaphore, #tpu.memory_space<semaphore_mem>>
      %dma_start3A = tpu.memref_slice %arg23[%mul3A_64] : memref<4096xi32, #tpu.memory_space<vmem_shared>> -> memref<256xi32, #tpu.memory_space<vmem_shared>>
      %dma_start3A_70 = tpu.memref_slice %arg23[%mul3A_64] : memref<4096xi32, #tpu.memory_space<vmem_shared>> -> memref<256xi32, #tpu.memory_space<vmem_shared>>
      tpu.enqueue_dma source(%arg9 : memref<256xi32, #tpu.memory_space<vmem>>) target(%dma_start3A_70 : memref<256xi32, #tpu.memory_space<vmem_shared>>) target_semaphore(%run_scoped3A : memref<!tpu.dma_semaphore, #tpu.memory_space<semaphore_mem>>)
      %dma_wait3A = tpu.memref_slice %arg23[%mul3A_64] : memref<4096xi32, #tpu.memory_space<vmem_shared>> -> memref<256xi32, #tpu.memory_space<vmem_shared>>
      %dma_wait3A_71 = tpu.memref_slice %arg23[%mul3A_64] : memref<4096xi32, #tpu.memory_space<vmem_shared>> -> memref<256xi32, #tpu.memory_space<vmem_shared>>
      tpu.wait_dma2 semaphore(%run_scoped3A : memref<!tpu.dma_semaphore, #tpu.memory_space<semaphore_mem>>) src(%arg9 : memref<256xi32, #tpu.memory_space<vmem>>) dst(%dma_wait3A_71 : memref<256xi32, #tpu.memory_space<vmem_shared>>)
      tpu.yield
    }) : () -> ()
    %barrier3A = arith.constant 0 : index
    tpu.barrier barrier_id(%barrier3A)
    %eq3A_65 = arith.constant 0 : i32
    %eq3A_66 = arith.cmpi eq, %arg1, %eq3A_65 : i32
    %convert_element_type3A_67 = arith.extui %eq3A_66 : i1 to i32
    %cond3A_68 = arith.constant 0 : i32
    %cond3A_69 = arith.cmpi ne, %convert_element_type3A_67, %cond3A_68 : i32
    scf.if %cond3A_69 {
      "tpu.region"() ({
        %run_scoped3A = tpu.sem_alloc : memref<!tpu.dma_semaphore, #tpu.memory_space<semaphore_mem>>
        tpu.enqueue_dma source(%arg24 : memref<256xi32, #tpu.memory_space<vmem_shared>>) target(%arg20 : memref<256xi32, #tpu.memory_space<vmem>>) target_semaphore(%run_scoped3A : memref<!tpu.dma_semaphore, #tpu.memory_space<semaphore_mem>>)
        tpu.wait_dma2 semaphore(%run_scoped3A : memref<!tpu.dma_semaphore, #tpu.memory_space<semaphore_mem>>) src(%arg24 : memref<256xi32, #tpu.memory_space<vmem_shared>>) dst(%arg20 : memref<256xi32, #tpu.memory_space<vmem>>)
        tpu.yield
      }) : () -> ()
      "tpu.region"() ({
        %run_scoped3A = tpu.sem_alloc : memref<!tpu.dma_semaphore, #tpu.memory_space<semaphore_mem>>
        tpu.enqueue_dma source(%arg21 : memref<4096xi32, #tpu.memory_space<vmem_shared>>) target(%arg17 : memref<4096xi32, #tpu.memory_space<vmem>>) target_semaphore(%run_scoped3A : memref<!tpu.dma_semaphore, #tpu.memory_space<semaphore_mem>>)
        tpu.wait_dma2 semaphore(%run_scoped3A : memref<!tpu.dma_semaphore, #tpu.memory_space<semaphore_mem>>) src(%arg21 : memref<4096xi32, #tpu.memory_space<vmem_shared>>) dst(%arg17 : memref<4096xi32, #tpu.memory_space<vmem>>)
        tpu.yield
      }) : () -> ()
      "tpu.region"() ({
        %run_scoped3A = tpu.sem_alloc : memref<!tpu.dma_semaphore, #tpu.memory_space<semaphore_mem>>
        tpu.enqueue_dma source(%arg22 : memref<4096xi32, #tpu.memory_space<vmem_shared>>) target(%arg18 : memref<4096xi32, #tpu.memory_space<vmem>>) target_semaphore(%run_scoped3A : memref<!tpu.dma_semaphore, #tpu.memory_space<semaphore_mem>>)
        tpu.wait_dma2 semaphore(%run_scoped3A : memref<!tpu.dma_semaphore, #tpu.memory_space<semaphore_mem>>) src(%arg22 : memref<4096xi32, #tpu.memory_space<vmem_shared>>) dst(%arg18 : memref<4096xi32, #tpu.memory_space<vmem>>)
        tpu.yield
      }) : () -> ()
      "tpu.region"() ({
        %run_scoped3A = tpu.sem_alloc : memref<!tpu.dma_semaphore, #tpu.memory_space<semaphore_mem>>
        tpu.enqueue_dma source(%arg23 : memref<4096xi32, #tpu.memory_space<vmem_shared>>) target(%arg19 : memref<4096xi32, #tpu.memory_space<vmem>>) target_semaphore(%run_scoped3A : memref<!tpu.dma_semaphore, #tpu.memory_space<semaphore_mem>>)
        tpu.wait_dma2 semaphore(%run_scoped3A : memref<!tpu.dma_semaphore, #tpu.memory_space<semaphore_mem>>) src(%arg23 : memref<4096xi32, #tpu.memory_space<vmem_shared>>) dst(%arg19 : memref<4096xi32, #tpu.memory_space<vmem>>)
        tpu.yield
      }) : () -> ()
      %scan3A = arith.constant 0 : i32
      %scan3A_70 = arith.constant 0 : i32
      %scan3A_71 = arith.constant 16 : i32
      %scan3A_72 = arith.addi %scan3A_70, %scan3A_71 : i32
      %scan3A_73 = arith.constant 1 : i32
      %scan3A_74 = scf.for %scan3A_109 = %scan3A_70 to %scan3A_72 step %scan3A_73 iter_args(%scan3A_110 = %scan3A) -> (i32)  : i32 {
        %mul3A_111 = arith.constant 16 : i32
        %mul3A_112 = arith.muli %scan3A_109, %mul3A_111 : i32
        %get3A_113 = arith.index_cast %mul3A_112 : i32 to index
        %get3A_114 = tpu.vector_load %arg20[%get3A_113] {strides = array<i32>} : memref<256xi32, #tpu.memory_space<vmem>>, vector<16xi32>,
        %eq3A_115 = arith.constant 0 : i32
        %eq3A_116 = vector.broadcast %eq3A_115 : i32 to vector<16xi32>
        %eq3A_117 = arith.cmpi eq, %iota3A, %eq3A_116 : vector<16xi32>
        %jit3A_118 = arith.constant 0 : i32
        %broadcast_in_dim3A_119 = vector.broadcast %jit3A_118 : i32 to vector<16xi32>
        %select_n3A_120 = arith.select %eq3A_117, %get3A_114, %broadcast_in_dim3A_119 : vector<16xi1>, vector<16xi32>
        %reduce_sum3A_121 = arith.constant true
        %reduce_sum3A_122 = vector.broadcast %reduce_sum3A_121 : i1 to vector<16xi1>
        %reduce_sum3A_123 = tpu.scan <sum>, %select_n3A_120 masked %reduce_sum3A_122 : vector<16xi32>, vector<16xi1> -> vector<16xi32>
        %reduce_sum3A_124 = vector.extract %reduce_sum3A_123[15] : i32 from vector<16xi32>
        %scan3A_125 = arith.constant 0 : i32
        %scan3A_126 = arith.constant 16 : i32
        %scan3A_127 = arith.addi %scan3A_125, %scan3A_126 : i32
        %scan3A_128 = arith.constant 1 : i32
        %scan3A_129 = scf.for %scan3A_131 = %scan3A_125 to %scan3A_127 step %scan3A_128 iter_args(%scan3A_132 = %scan3A_110) -> (i32)  : i32 {
          %mul3A_133 = arith.constant 16 : i32
          %mul3A_134 = arith.muli %scan3A_131, %mul3A_133 : i32
          %lt3A = arith.cmpi slt, %mul3A_134, %reduce_sum3A_124 : i32
          %convert_element_type3A_135 = arith.extui %lt3A : i1 to i32
          %cond3A_136 = arith.constant 0 : i32
          %cond3A_137 = arith.cmpi ne, %convert_element_type3A_135, %cond3A_136 : i32
          %cond3A_138 = scf.if %cond3A_137 -> (i32) {
            %mul3A_139 = arith.constant 256 : i32
            %mul3A_140 = arith.muli %scan3A_109, %mul3A_139 : i32
            %mul3A_141 = arith.constant 16 : i32
            %mul3A_142 = arith.muli %scan3A_131, %mul3A_141 : i32
            %add3A_143 = arith.addi %mul3A_140, %mul3A_142 : i32
            %get3A_144 = arith.index_cast %add3A_143 : i32 to index
            %get3A_145 = tpu.vector_load %arg17[%get3A_144] {strides = array<i32>} : memref<4096xi32, #tpu.memory_space<vmem>>, vector<16xi32>,
            %mul3A_146 = arith.constant 256 : i32
            %mul3A_147 = arith.muli %scan3A_109, %mul3A_146 : i32
            %mul3A_148 = arith.constant 16 : i32
            %mul3A_149 = arith.muli %scan3A_131, %mul3A_148 : i32
            %add3A_150 = arith.addi %mul3A_147, %mul3A_149 : i32
            %get3A_151 = arith.index_cast %add3A_150 : i32 to index
            %get3A_152 = tpu.vector_load %arg18[%get3A_151] {strides = array<i32>} : memref<4096xi32, #tpu.memory_space<vmem>>, vector<16xi32>,
            %mul3A_153 = arith.constant 16 : i32
            %mul3A_154 = arith.muli %scan3A_131, %mul3A_153 : i32
            %add3A_155 = vector.broadcast %mul3A_154 : i32 to vector<16xi32>
            %add3A_156 = arith.addi %add3A_155, %iota3A : vector<16xi32>
            %lt3A_157 = vector.broadcast %reduce_sum3A_124 : i32 to vector<16xi32>
            %lt3A_158 = arith.cmpi slt, %add3A_156, %lt3A_157 : vector<16xi32>
            %swap3A_159 = arith.index_cast %scan3A_132 : i32 to index
            %swap3A_160 = tpu.vector_load %arg12[%swap3A_159] masked %lt3A_158 {strides = array<i32>} : memref<256xi32, #tpu.memory_space<vmem>>, vector<16xi32>, vector<16xi1>
            tpu.vector_store %arg12[%swap3A_159], %get3A_145 masked %lt3A_158 {strides = array<i32>} : memref<256xi32, #tpu.memory_space<vmem>>, vector<16xi32>, vector<16xi1>
            %swap3A_161 = arith.index_cast %scan3A_132 : i32 to index
            %swap3A_162 = tpu.vector_load %arg13[%swap3A_161] masked %lt3A_158 {strides = array<i32>} : memref<256xi32, #tpu.memory_space<vmem>>, vector<16xi32>, vector<16xi1>
            tpu.vector_store %arg13[%swap3A_161], %get3A_152 masked %lt3A_158 {strides = array<i32>} : memref<256xi32, #tpu.memory_space<vmem>>, vector<16xi32>, vector<16xi1>
            %convert_element_type3A_163 = arith.extui %lt3A_158 : vector<16xi1> to vector<16xi32>
            %reduce_sum3A_164 = arith.constant true
            %reduce_sum3A_165 = vector.broadcast %reduce_sum3A_164 : i1 to vector<16xi1>
            %reduce_sum3A_166 = tpu.scan <sum>, %convert_element_type3A_163 masked %reduce_sum3A_165 : vector<16xi32>, vector<16xi1> -> vector<16xi32>
            %reduce_sum3A_167 = vector.extract %reduce_sum3A_166[15] : i32 from vector<16xi32>
            %add3A_168 = arith.addi %scan3A_132, %reduce_sum3A_167 : i32
            scf.yield %add3A_168 : i32
          } else {
            scf.yield %scan3A_132 : i32
          }
          scf.yield %cond3A_138 : i32
        }
        %scan3A_130 = arith.constant 16 : i32
        scf.yield %scan3A_129 : i32
      }
      %scan3A_75 = arith.constant 16 : i32
      %while3A_76 = arith.constant 0 : i32
      %while3A_77 = arith.constant 0 : i32
      %while3A_78 = arith.subi %scan3A_74, %while3A_76 : i32
      %while3A_79 = arith.addi %while3A_76, %while3A_78 : i32
      %while3A_80 = arith.constant 1 : i32
      %while3A_81 = arith.divsi %while3A_78, %while3A_80 : i32
      %while3A_82 = arith.muli %while3A_81, %while3A_80 : i32
      %while3A_83 = arith.addi %while3A_76, %while3A_82 : i32
      %while3A_84 = arith.constant 1 : i32
      %while3A_85 = scf.for %while3A_109 = %while3A_76 to %while3A_83 step %while3A_84 iter_args(%while3A_110 = %while3A_77) -> (i32)  : i32 {
        %broadcast_in_dim3A_111 = arith.constant 0 : i32
        %broadcast_in_dim3A_112 = vector.broadcast %broadcast_in_dim3A_111 : i32 to vector<16xi32>
        %add3A_113 = vector.broadcast %while3A_109 : i32 to vector<16xi32>
        %add3A_114 = arith.addi %broadcast_in_dim3A_112, %add3A_113 : vector<16xi32>
        %gather3A = tpu.vector_load_idx %arg13[%add3A_114] : memref<256xi32, #tpu.memory_space<vmem>>[vector<16xi32>], vector<16xi32>,
        %gather3A_115 = tpu.vector_load_idx %arg12[%add3A_114] : memref<256xi32, #tpu.memory_space<vmem>>[vector<16xi32>], vector<16xi32>,
        %scan3A_116 = arith.constant 0 : i32
        %scan3A_117 = arith.constant 0 : i32
        %scan3A_118 = arith.constant 13 : i32
        %scan3A_119 = arith.addi %scan3A_117, %scan3A_118 : i32
        %scan3A_120 = arith.constant 1 : i32
        %scan3A_121 = scf.for %scan3A_134 = %scan3A_117 to %scan3A_119 step %scan3A_120 iter_args(%scan3A_135 = %scan3A_116) -> (i32)  : i32 {
          %mul3A_136 = arith.constant 16 : i32
          %mul3A_137 = arith.muli %scan3A_134, %mul3A_136 : i32
          %get3A_138 = arith.index_cast %mul3A_137 : i32 to index
          %get3A_139 = tpu.vector_load %arg13[%get3A_138] {strides = array<i32>} : memref<256xi32, #tpu.memory_space<vmem>>, vector<16xi32>,
          %mul3A_140 = arith.constant 16 : i32
          %mul3A_141 = arith.muli %scan3A_134, %mul3A_140 : i32
          %get3A_142 = arith.index_cast %mul3A_141 : i32 to index
          %get3A_143 = tpu.vector_load %arg12[%get3A_142] {strides = array<i32>} : memref<256xi32, #tpu.memory_space<vmem>>, vector<16xi32>,
          %mul3A_144 = arith.constant 16 : i32
          %mul3A_145 = arith.muli %scan3A_134, %mul3A_144 : i32
          %add3A_146 = vector.broadcast %mul3A_145 : i32 to vector<16xi32>
          %add3A_147 = arith.addi %add3A_146, %iota3A : vector<16xi32>
          %lt3A = vector.broadcast %scan3A_74 : i32 to vector<16xi32>
          %lt3A_148 = arith.cmpi slt, %add3A_147, %lt3A : vector<16xi32>
          %lt3A_149 = arith.cmpi slt, %get3A_139, %gather3A : vector<16xi32>
          %eq3A_150 = arith.cmpi eq, %get3A_139, %gather3A : vector<16xi32>
          %lt3A_151 = arith.cmpi slt, %get3A_143, %gather3A_115 : vector<16xi32>
          %and3A = arith.andi %eq3A_150, %lt3A_151 : vector<16xi1>
          %or3A = arith.ori %lt3A_149, %and3A : vector<16xi1>
          %and3A_152 = arith.andi %or3A, %lt3A_148 : vector<16xi1>
          %convert_element_type3A_153 = arith.extui %and3A_152 : vector<16xi1> to vector<16xi32>
          %reduce_sum3A_154 = arith.constant true
          %reduce_sum3A_155 = vector.broadcast %reduce_sum3A_154 : i1 to vector<16xi1>
          %reduce_sum3A_156 = tpu.scan <sum>, %convert_element_type3A_153 masked %reduce_sum3A_155 : vector<16xi32>, vector<16xi1> -> vector<16xi32>
          %reduce_sum3A_157 = vector.extract %reduce_sum3A_156[15] : i32 from vector<16xi32>
          %add3A_158 = arith.addi %scan3A_135, %reduce_sum3A_157 : i32
          scf.yield %add3A_158 : i32
        }
        %scan3A_122 = arith.constant 13 : i32
        %eq3A_123 = arith.constant 0 : i32
        %eq3A_124 = vector.broadcast %eq3A_123 : i32 to vector<16xi32>
        %eq3A_125 = arith.cmpi eq, %iota3A, %eq3A_124 : vector<16xi32>
        %jit3A_126 = arith.constant 0 : i32
        %broadcast_in_dim3A_127 = vector.broadcast %scan3A_121 : i32 to vector<16xi32>
        %broadcast_in_dim3A_128 = vector.broadcast %jit3A_126 : i32 to vector<16xi32>
        %select_n3A_129 = arith.select %eq3A_125, %broadcast_in_dim3A_127, %broadcast_in_dim3A_128 : vector<16xi1>, vector<16xi32>
        %eq3A_130 = arith.constant 0 : i32
        %eq3A_131 = vector.broadcast %eq3A_130 : i32 to vector<16xi32>
        %eq3A_132 = arith.cmpi eq, %iota3A, %eq3A_131 : vector<16xi32>
        tpu.vector_store_idx %arg14[%select_n3A_129], %gather3A_115 masked %eq3A_132 : memref<256xi32, #tpu.memory_space<vmem>>[vector<16xi32>], vector<16xi32>, vector<16xi1>
        %while3A_133 = arith.constant 0 : i32
        scf.yield %while3A_133 : i32
      }
      %while3A_86 = arith.constant 1 : i32
      %while3A_87 = scf.for %while3A_109 = %while3A_83 to %while3A_79 step %while3A_86 iter_args(%while3A_110 = %while3A_85) -> (i32)  : i32 {
        %broadcast_in_dim3A_111 = arith.constant 0 : i32
        %broadcast_in_dim3A_112 = vector.broadcast %broadcast_in_dim3A_111 : i32 to vector<16xi32>
        %add3A_113 = vector.broadcast %while3A_109 : i32 to vector<16xi32>
        %add3A_114 = arith.addi %broadcast_in_dim3A_112, %add3A_113 : vector<16xi32>
        %gather3A = tpu.vector_load_idx %arg13[%add3A_114] : memref<256xi32, #tpu.memory_space<vmem>>[vector<16xi32>], vector<16xi32>,
        %gather3A_115 = tpu.vector_load_idx %arg12[%add3A_114] : memref<256xi32, #tpu.memory_space<vmem>>[vector<16xi32>], vector<16xi32>,
        %scan3A_116 = arith.constant 0 : i32
        %scan3A_117 = arith.constant 0 : i32
        %scan3A_118 = arith.constant 13 : i32
        %scan3A_119 = arith.addi %scan3A_117, %scan3A_118 : i32
        %scan3A_120 = arith.constant 1 : i32
        %scan3A_121 = scf.for %scan3A_134 = %scan3A_117 to %scan3A_119 step %scan3A_120 iter_args(%scan3A_135 = %scan3A_116) -> (i32)  : i32 {
          %mul3A_136 = arith.constant 16 : i32
          %mul3A_137 = arith.muli %scan3A_134, %mul3A_136 : i32
          %get3A_138 = arith.index_cast %mul3A_137 : i32 to index
          %get3A_139 = tpu.vector_load %arg13[%get3A_138] {strides = array<i32>} : memref<256xi32, #tpu.memory_space<vmem>>, vector<16xi32>,
          %mul3A_140 = arith.constant 16 : i32
          %mul3A_141 = arith.muli %scan3A_134, %mul3A_140 : i32
          %get3A_142 = arith.index_cast %mul3A_141 : i32 to index
          %get3A_143 = tpu.vector_load %arg12[%get3A_142] {strides = array<i32>} : memref<256xi32, #tpu.memory_space<vmem>>, vector<16xi32>,
          %mul3A_144 = arith.constant 16 : i32
          %mul3A_145 = arith.muli %scan3A_134, %mul3A_144 : i32
          %add3A_146 = vector.broadcast %mul3A_145 : i32 to vector<16xi32>
          %add3A_147 = arith.addi %add3A_146, %iota3A : vector<16xi32>
          %lt3A = vector.broadcast %scan3A_74 : i32 to vector<16xi32>
          %lt3A_148 = arith.cmpi slt, %add3A_147, %lt3A : vector<16xi32>
          %lt3A_149 = arith.cmpi slt, %get3A_139, %gather3A : vector<16xi32>
          %eq3A_150 = arith.cmpi eq, %get3A_139, %gather3A : vector<16xi32>
          %lt3A_151 = arith.cmpi slt, %get3A_143, %gather3A_115 : vector<16xi32>
          %and3A = arith.andi %eq3A_150, %lt3A_151 : vector<16xi1>
          %or3A = arith.ori %lt3A_149, %and3A : vector<16xi1>
          %and3A_152 = arith.andi %or3A, %lt3A_148 : vector<16xi1>
          %convert_element_type3A_153 = arith.extui %and3A_152 : vector<16xi1> to vector<16xi32>
          %reduce_sum3A_154 = arith.constant true
          %reduce_sum3A_155 = vector.broadcast %reduce_sum3A_154 : i1 to vector<16xi1>
          %reduce_sum3A_156 = tpu.scan <sum>, %convert_element_type3A_153 masked %reduce_sum3A_155 : vector<16xi32>, vector<16xi1> -> vector<16xi32>
          %reduce_sum3A_157 = vector.extract %reduce_sum3A_156[15] : i32 from vector<16xi32>
          %add3A_158 = arith.addi %scan3A_135, %reduce_sum3A_157 : i32
          scf.yield %add3A_158 : i32
        }
        %scan3A_122 = arith.constant 13 : i32
        %eq3A_123 = arith.constant 0 : i32
        %eq3A_124 = vector.broadcast %eq3A_123 : i32 to vector<16xi32>
        %eq3A_125 = arith.cmpi eq, %iota3A, %eq3A_124 : vector<16xi32>
        %jit3A_126 = arith.constant 0 : i32
        %broadcast_in_dim3A_127 = vector.broadcast %scan3A_121 : i32 to vector<16xi32>
        %broadcast_in_dim3A_128 = vector.broadcast %jit3A_126 : i32 to vector<16xi32>
        %select_n3A_129 = arith.select %eq3A_125, %broadcast_in_dim3A_127, %broadcast_in_dim3A_128 : vector<16xi1>, vector<16xi32>
        %eq3A_130 = arith.constant 0 : i32
        %eq3A_131 = vector.broadcast %eq3A_130 : i32 to vector<16xi32>
        %eq3A_132 = arith.cmpi eq, %iota3A, %eq3A_131 : vector<16xi32>
        tpu.vector_store_idx %arg14[%select_n3A_129], %gather3A_115 masked %eq3A_132 : memref<256xi32, #tpu.memory_space<vmem>>[vector<16xi32>], vector<16xi32>, vector<16xi1>
        %while3A_133 = arith.constant 0 : i32
        scf.yield %while3A_133 : i32
      }
      %scan3A_88 = arith.constant 0 : i32
      %scan3A_89 = arith.constant 0 : i32
      %scan3A_90 = arith.constant 16 : i32
      %scan3A_91 = arith.addi %scan3A_89, %scan3A_90 : i32
      %scan3A_92 = arith.constant 1 : i32
      %scan3A_93 = scf.for %scan3A_109 = %scan3A_89 to %scan3A_91 step %scan3A_92 iter_args(%scan3A_110 = %scan3A_88) -> (i32)  : i32 {
        %mul3A_111 = arith.constant 16 : i32
        %mul3A_112 = arith.muli %scan3A_109, %mul3A_111 : i32
        %get3A_113 = arith.index_cast %mul3A_112 : i32 to index
        %get3A_114 = tpu.vector_load %arg20[%get3A_113] {strides = array<i32>} : memref<256xi32, #tpu.memory_space<vmem>>, vector<16xi32>,
        %eq3A_115 = arith.constant 1 : i32
        %eq3A_116 = vector.broadcast %eq3A_115 : i32 to vector<16xi32>
        %eq3A_117 = arith.cmpi eq, %iota3A, %eq3A_116 : vector<16xi32>
        %jit3A_118 = arith.constant 0 : i32
        %broadcast_in_dim3A_119 = vector.broadcast %jit3A_118 : i32 to vector<16xi32>
        %select_n3A_120 = arith.select %eq3A_117, %get3A_114, %broadcast_in_dim3A_119 : vector<16xi1>, vector<16xi32>
        %reduce_sum3A_121 = arith.constant true
        %reduce_sum3A_122 = vector.broadcast %reduce_sum3A_121 : i1 to vector<16xi1>
        %reduce_sum3A_123 = tpu.scan <sum>, %select_n3A_120 masked %reduce_sum3A_122 : vector<16xi32>, vector<16xi1> -> vector<16xi32>
        %reduce_sum3A_124 = vector.extract %reduce_sum3A_123[15] : i32 from vector<16xi32>
        %scan3A_125 = arith.constant 0 : i32
        %scan3A_126 = arith.constant 16 : i32
        %scan3A_127 = arith.addi %scan3A_125, %scan3A_126 : i32
        %scan3A_128 = arith.constant 1 : i32
        %scan3A_129 = scf.for %scan3A_131 = %scan3A_125 to %scan3A_127 step %scan3A_128 iter_args(%scan3A_132 = %scan3A_110) -> (i32)  : i32 {
          %mul3A_133 = arith.constant 16 : i32
          %mul3A_134 = arith.muli %scan3A_131, %mul3A_133 : i32
          %lt3A = arith.cmpi slt, %mul3A_134, %reduce_sum3A_124 : i32
          %convert_element_type3A_135 = arith.extui %lt3A : i1 to i32
          %cond3A_136 = arith.constant 0 : i32
          %cond3A_137 = arith.cmpi ne, %convert_element_type3A_135, %cond3A_136 : i32
          %cond3A_138 = scf.if %cond3A_137 -> (i32) {
            %mul3A_139 = arith.constant 256 : i32
            %mul3A_140 = arith.muli %scan3A_109, %mul3A_139 : i32
            %mul3A_141 = arith.constant 16 : i32
            %mul3A_142 = arith.muli %scan3A_131, %mul3A_141 : i32
            %add3A_143 = arith.addi %mul3A_140, %mul3A_142 : i32
            %get3A_144 = arith.index_cast %add3A_143 : i32 to index
            %get3A_145 = tpu.vector_load %arg19[%get3A_144] {strides = array<i32>} : memref<4096xi32, #tpu.memory_space<vmem>>, vector<16xi32>,
            %mul3A_146 = arith.constant 16 : i32
            %mul3A_147 = arith.muli %scan3A_131, %mul3A_146 : i32
            %add3A_148 = vector.broadcast %mul3A_147 : i32 to vector<16xi32>
            %add3A_149 = arith.addi %add3A_148, %iota3A : vector<16xi32>
            %lt3A_150 = vector.broadcast %reduce_sum3A_124 : i32 to vector<16xi32>
            %lt3A_151 = arith.cmpi slt, %add3A_149, %lt3A_150 : vector<16xi32>
            %convert_element_type3A_152 = arith.extui %lt3A_151 : vector<16xi1> to vector<16xi32>
            %broadcast_in_dim3A_153 = arith.constant true
            %broadcast_in_dim3A_154 = vector.broadcast %broadcast_in_dim3A_153 : i1 to vector<16xi1>
            %masked_cumsum3A = tpu.scan <sum>, %convert_element_type3A_152 masked %broadcast_in_dim3A_154 : vector<16xi32>, vector<16xi1> -> vector<16xi32>
            %sub3A = arith.constant 1 : i32
            %sub3A_155 = vector.broadcast %sub3A : i32 to vector<16xi32>
            %sub3A_156 = arith.subi %masked_cumsum3A, %sub3A_155 : vector<16xi32>
            %add3A_157 = vector.broadcast %scan3A_132 : i32 to vector<16xi32>
            %add3A_158 = arith.addi %add3A_157, %sub3A_156 : vector<16xi32>
            %lt3A_159 = vector.broadcast %reduce_sum3A_23 : i32 to vector<16xi32>
            %lt3A_160 = arith.cmpi slt, %add3A_158, %lt3A_159 : vector<16xi32>
            %and3A = arith.andi %lt3A_151, %lt3A_160 : vector<16xi1>
            %add3A_161 = arith.addi %scan3A_74, %scan3A_132 : i32
            %add3A_162 = vector.broadcast %add3A_161 : i32 to vector<16xi32>
            %add3A_163 = arith.addi %add3A_162, %sub3A_156 : vector<16xi32>
            tpu.vector_store_idx %arg14[%add3A_163], %get3A_145 masked %and3A : memref<256xi32, #tpu.memory_space<vmem>>[vector<16xi32>], vector<16xi32>, vector<16xi1>
            %convert_element_type3A_164 = arith.extui %and3A : vector<16xi1> to vector<16xi32>
            %reduce_sum3A_165 = arith.constant true
            %reduce_sum3A_166 = vector.broadcast %reduce_sum3A_165 : i1 to vector<16xi1>
            %reduce_sum3A_167 = tpu.scan <sum>, %convert_element_type3A_164 masked %reduce_sum3A_166 : vector<16xi32>, vector<16xi1> -> vector<16xi32>
            %reduce_sum3A_168 = vector.extract %reduce_sum3A_167[15] : i32 from vector<16xi32>
            %add3A_169 = arith.addi %scan3A_132, %reduce_sum3A_168 : i32
            scf.yield %add3A_169 : i32
          } else {
            scf.yield %scan3A_132 : i32
          }
          scf.yield %cond3A_138 : i32
        }
        %scan3A_130 = arith.constant 16 : i32
        scf.yield %scan3A_129 : i32
      }
      %scan3A_94 = arith.constant 16 : i32
      %scan3A_95 = arith.constant 0 : i32
      %scan3A_96 = arith.constant 0 : i32
      %scan3A_97 = arith.constant 16 : i32
      %scan3A_98 = arith.addi %scan3A_96, %scan3A_97 : i32
      %scan3A_99 = arith.constant 1 : i32
      %scan3A_100 = scf.for %scan3A_109 = %scan3A_96 to %scan3A_98 step %scan3A_99 iter_args(%scan3A_110 = %scan3A_95) -> (i32)  : i32 {
        %broadcast_in_dim3A_111 = arith.constant 1073741824 : i32
        %broadcast_in_dim3A_112 = vector.broadcast %broadcast_in_dim3A_111 : i32 to vector<16xi32>
        %mul3A_113 = arith.constant 16 : i32
        %mul3A_114 = arith.muli %scan3A_109, %mul3A_113 : i32
        %swap3A_115 = arith.index_cast %mul3A_114 : i32 to index
        %swap3A_116 = tpu.vector_load %arg15[%swap3A_115] {strides = array<i32>} : memref<256xi32, #tpu.memory_space<vmem>>, vector<16xi32>,
        tpu.vector_store %arg15[%swap3A_115], %broadcast_in_dim3A_112 {strides = array<i32>} : memref<256xi32, #tpu.memory_space<vmem>>, vector<16xi32>,
        %broadcast_in_dim3A_117 = arith.constant 0 : i32
        %broadcast_in_dim3A_118 = vector.broadcast %broadcast_in_dim3A_117 : i32 to vector<16xi32>
        %mul3A_119 = arith.constant 16 : i32
        %mul3A_120 = arith.muli %scan3A_109, %mul3A_119 : i32
        %swap3A_121 = arith.index_cast %mul3A_120 : i32 to index
        %swap3A_122 = tpu.vector_load %arg16[%swap3A_121] {strides = array<i32>} : memref<256xi32, #tpu.memory_space<vmem>>, vector<16xi32>,
        tpu.vector_store %arg16[%swap3A_121], %broadcast_in_dim3A_118 {strides = array<i32>} : memref<256xi32, #tpu.memory_space<vmem>>, vector<16xi32>,
        %scan3A_123 = arith.constant 0 : i32
        scf.yield %scan3A_123 : i32
      }
      %scan3A_101 = arith.constant 16 : i32
      %scan3A_102 = arith.constant 0 : i32
      %scan3A_103 = arith.constant 0 : i32
      %scan3A_104 = arith.constant 200 : i32
      %scan3A_105 = arith.addi %scan3A_103, %scan3A_104 : i32
      %scan3A_106 = arith.constant 1 : i32
      %scan3A_107 = scf.for %scan3A_109 = %scan3A_103 to %scan3A_105 step %scan3A_106 iter_args(%scan3A_110 = %scan3A_102) -> (i32)  : i32 {
        %broadcast_in_dim3A_111 = arith.constant 0 : i32
        %broadcast_in_dim3A_112 = vector.broadcast %broadcast_in_dim3A_111 : i32 to vector<16xi32>
        %add3A_113 = vector.broadcast %scan3A_109 : i32 to vector<16xi32>
        %add3A_114 = arith.addi %broadcast_in_dim3A_112, %add3A_113 : vector<16xi32>
        %gather3A = tpu.vector_load_idx %arg14[%add3A_114] : memref<256xi32, #tpu.memory_space<vmem>>[vector<16xi32>], vector<16xi32>,
        %scan3A_115 = arith.constant 0 : i32
        %scan3A_116 = arith.constant 0 : i32
        %scan3A_117 = arith.constant 13 : i32
        %scan3A_118 = arith.addi %scan3A_116, %scan3A_117 : i32
        %scan3A_119 = arith.constant 1 : i32
        %scan3A_120 = scf.for %scan3A_138 = %scan3A_116 to %scan3A_118 step %scan3A_119 iter_args(%scan3A_139 = %scan3A_115) -> (i32)  : i32 {
          %mul3A_140 = arith.constant 16 : i32
          %mul3A_141 = arith.muli %scan3A_138, %mul3A_140 : i32
          %get3A_142 = arith.index_cast %mul3A_141 : i32 to index
          %get3A_143 = tpu.vector_load %arg14[%get3A_142] {strides = array<i32>} : memref<256xi32, #tpu.memory_space<vmem>>, vector<16xi32>,
          %mul3A_144 = arith.constant 16 : i32
          %mul3A_145 = arith.muli %scan3A_138, %mul3A_144 : i32
          %add3A_146 = vector.broadcast %mul3A_145 : i32 to vector<16xi32>
          %add3A_147 = arith.addi %add3A_146, %iota3A : vector<16xi32>
          %lt3A = arith.constant 200 : i32
          %lt3A_148 = vector.broadcast %lt3A : i32 to vector<16xi32>
          %lt3A_149 = arith.cmpi slt, %add3A_147, %lt3A_148 : vector<16xi32>
          %lt3A_150 = arith.cmpi slt, %get3A_143, %gather3A : vector<16xi32>
          %and3A = arith.andi %lt3A_150, %lt3A_149 : vector<16xi1>
          %convert_element_type3A_151 = arith.extui %and3A : vector<16xi1> to vector<16xi32>
          %reduce_sum3A_152 = arith.constant true
          %reduce_sum3A_153 = vector.broadcast %reduce_sum3A_152 : i1 to vector<16xi1>
          %reduce_sum3A_154 = tpu.scan <sum>, %convert_element_type3A_151 masked %reduce_sum3A_153 : vector<16xi32>, vector<16xi1> -> vector<16xi32>
          %reduce_sum3A_155 = vector.extract %reduce_sum3A_154[15] : i32 from vector<16xi32>
          %add3A_156 = arith.addi %scan3A_139, %reduce_sum3A_155 : i32
          scf.yield %add3A_156 : i32
        }
        %scan3A_121 = arith.constant 13 : i32
        %eq3A_122 = arith.constant 0 : i32
        %eq3A_123 = vector.broadcast %eq3A_122 : i32 to vector<16xi32>
        %eq3A_124 = arith.cmpi eq, %iota3A, %eq3A_123 : vector<16xi32>
        %jit3A_125 = arith.constant 0 : i32
        %broadcast_in_dim3A_126 = vector.broadcast %scan3A_120 : i32 to vector<16xi32>
        %broadcast_in_dim3A_127 = vector.broadcast %jit3A_125 : i32 to vector<16xi32>
        %select_n3A_128 = arith.select %eq3A_124, %broadcast_in_dim3A_126, %broadcast_in_dim3A_127 : vector<16xi1>, vector<16xi32>
        tpu.vector_store_idx %arg15[%select_n3A_128], %gather3A masked %eq3A_124 : memref<256xi32, #tpu.memory_space<vmem>>[vector<16xi32>], vector<16xi32>, vector<16xi1>
        %jit3A_129 = arith.constant 0 : i32
        %broadcast_in_dim3A_130 = vector.broadcast %scan3A_120 : i32 to vector<16xi32>
        %broadcast_in_dim3A_131 = vector.broadcast %jit3A_129 : i32 to vector<16xi32>
        %select_n3A_132 = arith.select %eq3A_124, %broadcast_in_dim3A_130, %broadcast_in_dim3A_131 : vector<16xi1>, vector<16xi32>
        %broadcast_in_dim3A_133 = arith.constant 0 : i32
        %broadcast_in_dim3A_134 = vector.broadcast %broadcast_in_dim3A_133 : i32 to vector<16xi32>
        %add3A_135 = vector.broadcast %scan3A_109 : i32 to vector<16xi32>
        %add3A_136 = arith.addi %broadcast_in_dim3A_134, %add3A_135 : vector<16xi32>
        tpu.vector_store_idx %arg16[%select_n3A_132], %add3A_136 masked %eq3A_124 : memref<256xi32, #tpu.memory_space<vmem>>[vector<16xi32>], vector<16xi32>, vector<16xi1>
        %scan3A_137 = arith.constant 0 : i32
        scf.yield %scan3A_137 : i32
      }
      %scan3A_108 = arith.constant 200 : i32
      "tpu.region"() ({
        %run_scoped3A = tpu.sem_alloc : memref<!tpu.dma_semaphore, #tpu.memory_space<semaphore_mem>>
        tpu.enqueue_dma source(%arg15 : memref<256xi32, #tpu.memory_space<vmem>>) target(%arg4 : memref<256xi32, #tpu.memory_space<hbm>>) target_semaphore(%run_scoped3A : memref<!tpu.dma_semaphore, #tpu.memory_space<semaphore_mem>>)
        tpu.wait_dma2 semaphore(%run_scoped3A : memref<!tpu.dma_semaphore, #tpu.memory_space<semaphore_mem>>) src(%arg15 : memref<256xi32, #tpu.memory_space<vmem>>) dst(%arg4 : memref<256xi32, #tpu.memory_space<hbm>>)
        tpu.yield
      }) : () -> ()
      "tpu.region"() ({
        %run_scoped3A = tpu.sem_alloc : memref<!tpu.dma_semaphore, #tpu.memory_space<semaphore_mem>>
        tpu.enqueue_dma source(%arg16 : memref<256xi32, #tpu.memory_space<vmem>>) target(%arg5 : memref<256xi32, #tpu.memory_space<hbm>>) target_semaphore(%run_scoped3A : memref<!tpu.dma_semaphore, #tpu.memory_space<semaphore_mem>>)
        tpu.wait_dma2 semaphore(%run_scoped3A : memref<!tpu.dma_semaphore, #tpu.memory_space<semaphore_mem>>) src(%arg16 : memref<256xi32, #tpu.memory_space<vmem>>) dst(%arg5 : memref<256xi32, #tpu.memory_space<hbm>>)
        tpu.yield
      }) : () -> ()
    } else {
    }
    return
  }
}

module attributes {stable_mosaic.version = 14 : i64} {
  func.func @_thresh_prio_body(%arg0: memref<8192x128xi32, #tpu.memory_space<vmem>>, %arg1: memref<200x64xf32, #tpu.memory_space<vmem>>, %arg2: memref<128x64xf32, #tpu.memory_space<vmem>>, %arg3: memref<1x64xf32, #tpu.memory_space<vmem>>, %arg4: memref<64x1xf32, #tpu.memory_space<vmem>>, %arg5: memref<1x1xf32, #tpu.memory_space<vmem>>, %arg6: memref<16xi32, #tpu.memory_space<smem>>, %arg7: memref<256x1xf32, #tpu.memory_space<vmem>>) attributes {dimension_semantics = [], scalar_prefetch = 0 : i64, scratch_operands = 0 : i64, tpu.core_type = #tpu.core_type<tc>} {
    %get3A = arith.constant 0 : index
    %get3A_0 = arith.constant 0 : index
    %get3A_1 = vector.load %arg0[%get3A, %get3A_0] : memref<8192x128xi32, #tpu.memory_space<vmem>>, vector<8192x128xi32>
    %scan3A = arith.constant 0 : i32
    %scan3A_2 = arith.constant 1065353216 : i32
    %scan3A_3 = arith.constant 0 : i32
    %scan3A_4 = arith.constant 30 : i32
    %scan3A_5 = arith.addi %scan3A_3, %scan3A_4 : i32
    %scan3A_6 = arith.constant 1 : i32
    %scan3A_7:2 = scf.for %scan3A_59 = %scan3A_3 to %scan3A_5 step %scan3A_6 iter_args(%scan3A_60 = %scan3A, %scan3A_61 = %scan3A_2) -> (i32, i32)  : i32 {
      %add3A_62 = arith.addi %scan3A_60, %scan3A_61 : i32
      %jit3A = arith.constant 2 : i32
      %div3A_63 = arith.divsi %add3A_62, %jit3A : i32
      %sign3A = arith.constant 0 : i32
      %sign3A_64 = arith.cmpi sgt, %add3A_62, %sign3A : i32
      %sign3A_65 = arith.extui %sign3A_64 : i1 to i32
      %sign3A_66 = arith.constant 0 : i32
      %sign3A_67 = arith.cmpi slt, %add3A_62, %sign3A_66 : i32
      %sign3A_68 = arith.extui %sign3A_67 : i1 to i32
      %sign3A_69 = arith.subi %sign3A_65, %sign3A_68 : i32
      %sign3A_70 = arith.constant 0 : i32
      %sign3A_71 = arith.cmpi sgt, %jit3A, %sign3A_70 : i32
      %sign3A_72 = arith.extui %sign3A_71 : i1 to i32
      %sign3A_73 = arith.constant 0 : i32
      %sign3A_74 = arith.cmpi slt, %jit3A, %sign3A_73 : i32
      %sign3A_75 = arith.extui %sign3A_74 : i1 to i32
      %sign3A_76 = arith.subi %sign3A_72, %sign3A_75 : i32
      %ne3A = arith.cmpi ne, %sign3A_69, %sign3A_76 : i32
      %rem3A = arith.remsi %add3A_62, %jit3A : i32
      %ne3A_77 = arith.constant 0 : i32
      %ne3A_78 = arith.cmpi ne, %rem3A, %ne3A_77 : i32
      %and3A = arith.andi %ne3A, %ne3A_78 : i1
      %sub3A_79 = arith.constant 1 : i32
      %sub3A_80 = arith.subi %div3A_63, %sub3A_79 : i32
      %select_n3A = arith.select %and3A, %sub3A_80, %div3A_63 : i32
      %lt3A_81 = vector.broadcast %select_n3A : i32 to vector<8192x128xi32>
      %lt3A_82 = arith.cmpi slt, %get3A_1, %lt3A_81 : vector<8192x128xi32>
      %convert_element_type3A_83 = arith.extui %lt3A_82 : vector<8192x128xi1> to vector<8192x128xi32>
      %reduce_sum3A_84 = vector.shape_cast %convert_element_type3A_83 : vector<8192x128xi32> to vector<1x8192x128xi32>
      %reduce_sum3A_85 = arith.constant dense<0> : vector<1xi32>
      %reduce_sum3A_86 = vector.multi_reduction <add>, %reduce_sum3A_84, %reduce_sum3A_85 [1, 2] : vector<1x8192x128xi32> to vector<1xi32>
      %reduce_sum3A_87 = vector.shape_cast %reduce_sum3A_86 : vector<1xi32> to vector<1x1x1xi32>
      %reduce_sum3A_88 = vector.extract %reduce_sum3A_87[0, 0, 0] : i32 from vector<1x1x1xi32>
      %ge3A = arith.constant 200 : i32
      %ge3A_89 = arith.cmpi sge, %reduce_sum3A_88, %ge3A : i32
      %select_n3A_90 = arith.select %ge3A_89, %scan3A_60, %select_n3A : i32
      %select_n3A_91 = arith.select %ge3A_89, %select_n3A, %scan3A_61 : i32
      scf.yield %select_n3A_90, %select_n3A_91 : i32, i32
    }
    %sub3A = arith.constant 1 : i32
    %sub3A_8 = arith.subi %scan3A_7#1, %sub3A : i32
    %lt3A = vector.broadcast %sub3A_8 : i32 to vector<8192x128xi32>
    %lt3A_9 = arith.cmpi slt, %get3A_1, %lt3A : vector<8192x128xi32>
    %convert_element_type3A = arith.extui %lt3A_9 : vector<8192x128xi1> to vector<8192x128xi32>
    %reduce_sum3A = vector.shape_cast %convert_element_type3A : vector<8192x128xi32> to vector<1x8192x128xi32>
    %reduce_sum3A_10 = arith.constant dense<0> : vector<1xi32>
    %reduce_sum3A_11 = vector.multi_reduction <add>, %reduce_sum3A, %reduce_sum3A_10 [1, 2] : vector<1x8192x128xi32> to vector<1xi32>
    %reduce_sum3A_12 = vector.shape_cast %reduce_sum3A_11 : vector<1xi32> to vector<1x1x1xi32>
    %reduce_sum3A_13 = vector.extract %reduce_sum3A_12[0, 0, 0] : i32 from vector<1x1x1xi32>
    %sub3A_14 = arith.constant 200 : i32
    %sub3A_15 = arith.subi %sub3A_14, %reduce_sum3A_13 : i32
    %swap3A = arith.constant 0 : index
    %swap3A_16 = memref.load %arg6[%swap3A] : memref<16xi32, #tpu.memory_space<smem>>
    memref.store %sub3A_8, %arg6[%swap3A] : memref<16xi32, #tpu.memory_space<smem>>
    %swap3A_17 = arith.constant 1 : index
    %swap3A_18 = memref.load %arg6[%swap3A_17] : memref<16xi32, #tpu.memory_space<smem>>
    memref.store %reduce_sum3A_13, %arg6[%swap3A_17] : memref<16xi32, #tpu.memory_space<smem>>
    %swap3A_19 = arith.constant 2 : index
    %swap3A_20 = memref.load %arg6[%swap3A_19] : memref<16xi32, #tpu.memory_space<smem>>
    memref.store %sub3A_15, %arg6[%swap3A_19] : memref<16xi32, #tpu.memory_space<smem>>
    %swap3A_21 = arith.constant 0 : i32
    %swap3A_22 = arith.constant 3 : index
    %swap3A_23 = memref.load %arg6[%swap3A_22] : memref<16xi32, #tpu.memory_space<smem>>
    memref.store %swap3A_21, %arg6[%swap3A_22] : memref<16xi32, #tpu.memory_space<smem>>
    %get3A_24 = arith.constant 0 : index
    %get3A_25 = arith.constant 0 : index
    %get3A_26 = vector.load %arg1[%get3A_24, %get3A_25] : memref<200x64xf32, #tpu.memory_space<vmem>>, vector<200x64xf32>
    %concatenate3A = tpu.concatenate %get3A_26, %get3A_26 in 1 : vector<200x64xf32>, vector<200x64xf32> -> vector<200x128xf32>
    %get3A_27 = arith.constant 0 : index
    %get3A_28 = arith.constant 0 : index
    %get3A_29 = vector.load %arg2[%get3A_27, %get3A_28] : memref<128x64xf32, #tpu.memory_space<vmem>>, vector<128x64xf32>
    %dot_general3A = arith.constant dense<0.000000e+00> : vector<200x64xf32>
    %dot_general3A_30 = tpu.matmul %concatenate3A, %get3A_29, %dot_general3A {dimension_numbers = #tpu.dot_dimension_numbers<[1], [0], [0], [1], [0, 0, 1, 1], [], []>, transpose_lhs_hint = false} : vector<200x128xf32>, vector<128x64xf32>, vector<200x64xf32> -> vector<200x64xf32>
    %get3A_31 = arith.constant 0 : index
    %get3A_32 = arith.constant 0 : index
    %get3A_33 = vector.load %arg3[%get3A_31, %get3A_32] : memref<1x64xf32, #tpu.memory_space<vmem>>, vector<1x64xf32>
    %add3A = vector.broadcast %get3A_33 : vector<1x64xf32> to vector<200x64xf32>
    %add3A_34 = arith.addf %dot_general3A_30, %add3A : vector<200x64xf32>
    %max3A = arith.constant 0.000000e+00 : f32
    %max3A_35 = vector.broadcast %max3A : f32 to vector<200x64xf32>
    %max3A_36 = arith.maximumf %add3A_34, %max3A_35 : vector<200x64xf32>
    %get3A_37 = arith.constant 0 : index
    %get3A_38 = arith.constant 0 : index
    %get3A_39 = vector.load %arg4[%get3A_37, %get3A_38] : memref<64x1xf32, #tpu.memory_space<vmem>>, vector<64x1xf32>
    %dot_general3A_40 = arith.constant dense<0.000000e+00> : vector<200x1xf32>
    %dot_general3A_41 = tpu.matmul %max3A_36, %get3A_39, %dot_general3A_40 {dimension_numbers = #tpu.dot_dimension_numbers<[1], [0], [0], [1], [0, 0, 1, 1], [], []>, transpose_lhs_hint = false} : vector<200x64xf32>, vector<64x1xf32>, vector<200x1xf32> -> vector<200x1xf32>
    %get3A_42 = arith.constant 0 : index
    %get3A_43 = arith.constant 0 : index
    %get3A_44 = vector.load %arg5[%get3A_42, %get3A_43] : memref<1x1xf32, #tpu.memory_space<vmem>>, vector<1x1xf32>
    %add3A_45 = vector.broadcast %get3A_44 : vector<1x1xf32> to vector<200x1xf32>
    %add3A_46 = arith.addf %dot_general3A_41, %add3A_45 : vector<200x1xf32>
    %neg3A = arith.constant 0.000000e+00 : f32
    %neg3A_47 = vector.broadcast %neg3A : f32 to vector<200x1xf32>
    %neg3A_48 = arith.subf %neg3A_47, %add3A_46 : vector<200x1xf32>
    %exp3A = math.exp %neg3A_48 : vector<200x1xf32>
    %add3A_49 = arith.constant 1.000000e+00 : f32
    %add3A_50 = vector.broadcast %add3A_49 : f32 to vector<200x1xf32>
    %add3A_51 = arith.addf %add3A_50, %exp3A : vector<200x1xf32>
    %div3A = arith.constant 1.000000e+00 : f32
    %div3A_52 = vector.broadcast %div3A : f32 to vector<200x1xf32>
    %div3A_53 = arith.divf %div3A_52, %add3A_51 : vector<200x1xf32>
    %broadcast_in_dim3A = arith.constant 0.000000e+00 : f32
    %broadcast_in_dim3A_54 = vector.broadcast %broadcast_in_dim3A : f32 to vector<56x1xf32>
    %concatenate3A_55 = tpu.concatenate %div3A_53, %broadcast_in_dim3A_54 in 0 : vector<200x1xf32>, vector<56x1xf32> -> vector<256x1xf32>
    %swap3A_56 = arith.constant 0 : index
    %swap3A_57 = arith.constant 0 : index
    %swap3A_58 = vector.load %arg7[%swap3A_56, %swap3A_57] : memref<256x1xf32, #tpu.memory_space<vmem>>, vector<256x1xf32>
    tpu.vector_store %arg7[%swap3A_56, %swap3A_57], %concatenate3A_55 {strides = array<i32>} : memref<256x1xf32, #tpu.memory_space<vmem>>, vector<256x1xf32>,
    return
  }
}

module attributes {stable_mosaic.version = 14 : i64} {
  func.func @_copy_apply_body(%arg0: i32, %arg1: memref<256xi32, #tpu.memory_space<smem>>, %arg2: memref<256xi32, #tpu.memory_space<smem>>, %arg3: memref<8000x64xf32, #tpu.memory_space<vmem>>, %arg4: memref<1x1x8000xf32, #tpu.memory_space<vmem>>, %arg5: memref<200x64xf32, #tpu.memory_space<vmem>>, %arg6: memref<256x1xf32, #tpu.memory_space<vmem>>, %arg7: memref<8000x64xf32, #tpu.memory_space<vmem>>, %arg8: memref<1x1x8000xf32, #tpu.memory_space<vmem>>, %arg9: memref<1xi32, #tpu.memory_space<smem>>) attributes {dimension_semantics = [#tpu.dimension_semantics<arbitrary>], iteration_bounds = array<i64: 125>, scalar_prefetch = 0 : i64, scratch_operands = 1 : i64, tpu.core_type = #tpu.core_type<tc>, window_params = [{transform_indices = @transform_0, window_bounds = array<i64: 256>}, {transform_indices = @transform_1, window_bounds = array<i64: 256>}, {transform_indices = @transform_2, window_bounds = array<i64: 8000, 64>}, {transform_indices = @transform_3, window_bounds = array<i64: 1, 1, 8000>}, {pipeline_mode = #tpu.pipeline_mode<synchronous>, transform_indices = @transform_4, window_bounds = array<i64: 200, 64>}, {pipeline_mode = #tpu.pipeline_mode<synchronous>, transform_indices = @transform_5, window_bounds = array<i64: 256, 1>}, {transform_indices = @transform_6, window_bounds = array<i64: 8000, 64>}, {transform_indices = @transform_7, window_bounds = array<i64: 1, 1, 8000>}]} {
    %eq3A = arith.constant 0 : i32
    %eq3A_0 = arith.cmpi eq, %arg0, %eq3A : i32
    %convert_element_type3A = arith.extui %eq3A_0 : i1 to i32
    %cond3A = arith.constant 0 : i32
    %cond3A_1 = arith.cmpi ne, %convert_element_type3A, %cond3A : i32
    scf.if %cond3A_1 {
      %swap3A_22 = arith.constant 0 : i32
      %swap3A_23 = arith.constant 0 : index
      %swap3A_24 = memref.load %arg9[%swap3A_23] : memref<1xi32, #tpu.memory_space<smem>>
      memref.store %swap3A_22, %arg9[%swap3A_23] : memref<1xi32, #tpu.memory_space<smem>>
    } else {
    }
    %get3A = arith.constant 0 : index
    %get3A_2 = arith.constant 0 : index
    %get3A_3 = vector.load %arg3[%get3A, %get3A_2] : memref<8000x64xf32, #tpu.memory_space<vmem>>, vector<8000x64xf32>
    %swap3A = arith.constant 0 : index
    %swap3A_4 = arith.constant 0 : index
    %swap3A_5 = vector.load %arg7[%swap3A, %swap3A_4] : memref<8000x64xf32, #tpu.memory_space<vmem>>, vector<8000x64xf32>
    tpu.vector_store %arg7[%swap3A, %swap3A_4], %get3A_3 {strides = array<i32>} : memref<8000x64xf32, #tpu.memory_space<vmem>>, vector<8000x64xf32>,
    %get3A_6 = arith.constant 0 : index
    %get3A_7 = arith.constant 0 : index
    %get3A_8 = arith.constant 0 : index
    %get3A_9 = vector.load %arg4[%get3A_6, %get3A_7, %get3A_8] : memref<1x1x8000xf32, #tpu.memory_space<vmem>>, vector<1x1x8000xf32>
    %swap3A_10 = arith.constant 0 : index
    %swap3A_11 = arith.constant 0 : index
    %swap3A_12 = arith.constant 0 : index
    %swap3A_13 = vector.load %arg8[%swap3A_10, %swap3A_11, %swap3A_12] : memref<1x1x8000xf32, #tpu.memory_space<vmem>>, vector<1x1x8000xf32>
    tpu.vector_store %arg8[%swap3A_10, %swap3A_11, %swap3A_12], %get3A_9 {strides = array<i32>} : memref<1x1x8000xf32, #tpu.memory_space<vmem>>, vector<1x1x8000xf32>,
    %add3A = arith.constant 1 : i32
    %add3A_14 = arith.addi %arg0, %add3A : i32
    %mul3A = arith.constant 8000 : i32
    %mul3A_15 = arith.muli %add3A_14, %mul3A : i32
    %mul3A_16 = arith.constant 8000 : i32
    %mul3A_17 = arith.muli %arg0, %mul3A_16 : i32
    %iota3A = tpu.iota {dimensions = array<i32: 2>} : vector<1x1x8000xi32>
    %get3A_18 = arith.constant 0 : index
    %get3A_19 = memref.load %arg9[%get3A_18] : memref<1xi32, #tpu.memory_space<smem>>
    %while3A = scf.while (%while3A_22 = %get3A_19) : (i32) -> i32 {
      %lt3A = arith.constant 200 : i32
      %lt3A_23 = arith.cmpi slt, %while3A_22, %lt3A : i32
      %get3A_24 = arith.index_cast %while3A_22 : i32 to index
      %get3A_25 = memref.load %arg1[%get3A_24] : memref<256xi32, #tpu.memory_space<smem>>
      %lt3A_26 = arith.cmpi slt, %get3A_25, %mul3A_15 : i32
      %and3A = arith.andi %lt3A_23, %lt3A_26 : i1
      scf.condition(%and3A) %while3A_22 : i32
    } do {
    ^bb0(%while3A_22: i32):
      %get3A_23 = arith.index_cast %while3A_22 : i32 to index
      %get3A_24 = memref.load %arg1[%get3A_23] : memref<256xi32, #tpu.memory_space<smem>>
      %sub3A = arith.subi %get3A_24, %mul3A_17 : i32
      %get3A_25 = arith.index_cast %while3A_22 : i32 to index
      %get3A_26 = memref.load %arg2[%get3A_25] : memref<256xi32, #tpu.memory_space<smem>>
      %get3A_27 = arith.index_cast %get3A_26 : i32 to index
      %get3A_28 = arith.constant 0 : index
      %get3A_29 = vector.load %arg5[%get3A_27, %get3A_28] : memref<200x64xf32, #tpu.memory_space<vmem>>, vector<1x64xf32>
      %swap3A_30 = arith.index_cast %sub3A : i32 to index
      %swap3A_31 = arith.constant 0 : index
      %swap3A_32 = vector.load %arg7[%swap3A_30, %swap3A_31] : memref<8000x64xf32, #tpu.memory_space<vmem>>, vector<1x64xf32>
      tpu.vector_store %arg7[%swap3A_30, %swap3A_31], %get3A_29 {strides = array<i32>} : memref<8000x64xf32, #tpu.memory_space<vmem>>, vector<1x64xf32>,
      %get3A_33 = arith.index_cast %get3A_26 : i32 to index
      %get3A_34 = arith.constant 0 : index
      %get3A_35 = vector.load %arg6[%get3A_33, %get3A_34] : memref<256x1xf32, #tpu.memory_space<vmem>>, vector<1x1xf32>
      %reduce_sum3A = vector.shape_cast %get3A_35 : vector<1x1xf32> to vector<1x1x1xf32>
      %reduce_sum3A_36 = arith.constant dense<0.000000e+00> : vector<1xf32>
      %reduce_sum3A_37 = vector.multi_reduction <add>, %reduce_sum3A, %reduce_sum3A_36 [1, 2] : vector<1x1x1xf32> to vector<1xf32>
      %reduce_sum3A_38 = vector.shape_cast %reduce_sum3A_37 : vector<1xf32> to vector<1x1x1xf32>
      %reduce_sum3A_39 = vector.extract %reduce_sum3A_38[0, 0, 0] : f32 from vector<1x1x1xf32>
      %get3A_40 = arith.constant 0 : index
      %get3A_41 = arith.constant 0 : index
      %get3A_42 = arith.constant 0 : index
      %get3A_43 = vector.load %arg8[%get3A_40, %get3A_41, %get3A_42] : memref<1x1x8000xf32, #tpu.memory_space<vmem>>, vector<1x1x8000xf32>
      %eq3A_44 = vector.broadcast %sub3A : i32 to vector<1x1x8000xi32>
      %eq3A_45 = arith.cmpi eq, %iota3A, %eq3A_44 : vector<1x1x8000xi32>
      %broadcast_in_dim3A = vector.broadcast %reduce_sum3A_39 : f32 to vector<1x1x8000xf32>
      %select_n3A = arith.select %eq3A_45, %broadcast_in_dim3A, %get3A_43 : vector<1x1x8000xi1>, vector<1x1x8000xf32>
      %swap3A_46 = arith.constant 0 : index
      %swap3A_47 = arith.constant 0 : index
      %swap3A_48 = arith.constant 0 : index
      %swap3A_49 = vector.load %arg8[%swap3A_46, %swap3A_47, %swap3A_48] : memref<1x1x8000xf32, #tpu.memory_space<vmem>>, vector<1x1x8000xf32>
      tpu.vector_store %arg8[%swap3A_46, %swap3A_47, %swap3A_48], %select_n3A {strides = array<i32>} : memref<1x1x8000xf32, #tpu.memory_space<vmem>>, vector<1x1x8000xf32>,
      %add3A_50 = arith.constant 1 : i32
      %add3A_51 = arith.addi %while3A_22, %add3A_50 : i32
      scf.yield %add3A_51 : i32
    }
    %swap3A_20 = arith.constant 0 : index
    %swap3A_21 = memref.load %arg9[%swap3A_20] : memref<1xi32, #tpu.memory_space<smem>>
    memref.store %while3A, %arg9[%swap3A_20] : memref<1xi32, #tpu.memory_space<smem>>
    return
  }
  func.func @transform_0(%arg0: i32) -> i32 {
    %c0_i32 = arith.constant 0 : i32
    %c0_i32_0 = arith.constant 0 : i32
    return %c0_i32 : i32
  }
  func.func @transform_1(%arg0: i32) -> i32 {
    %c0_i32 = arith.constant 0 : i32
    %c0_i32_0 = arith.constant 0 : i32
    return %c0_i32 : i32
  }
  func.func @transform_2(%arg0: i32) -> (i32, i32) {
    %c0_i32 = arith.constant 0 : i32
    %c0_i32_0 = arith.constant 0 : i32
    return %arg0, %c0_i32 : i32, i32
  }
  func.func @transform_3(%arg0: i32) -> (i32, i32, i32) {
    %c0_i32 = arith.constant 0 : i32
    %c0_i32_0 = arith.constant 0 : i32
    %c0_i32_1 = arith.constant 0 : i32
    return %arg0, %c0_i32, %c0_i32_0 : i32, i32, i32
  }
  func.func @transform_4(%arg0: i32) -> (i32, i32) {
    %c0_i32 = arith.constant 0 : i32
    %c0_i32_0 = arith.constant 0 : i32
    %c0_i32_1 = arith.constant 0 : i32
    return %c0_i32, %c0_i32_0 : i32, i32
  }
  func.func @transform_5(%arg0: i32) -> (i32, i32) {
    %c0_i32 = arith.constant 0 : i32
    %c0_i32_0 = arith.constant 0 : i32
    %c0_i32_1 = arith.constant 0 : i32
    return %c0_i32, %c0_i32_0 : i32, i32
  }
  func.func @transform_6(%arg0: i32) -> (i32, i32) {
    %c0_i32 = arith.constant 0 : i32
    %c0_i32_0 = arith.constant 0 : i32
    return %arg0, %c0_i32 : i32, i32
  }
  func.func @transform_7(%arg0: i32) -> (i32, i32, i32) {
    %c0_i32 = arith.constant 0 : i32
    %c0_i32_0 = arith.constant 0 : i32
    %c0_i32_1 = arith.constant 0 : i32
    return %arg0, %c0_i32, %c0_i32_0 : i32, i32, i32
  }
}

</mosaic_0001>

<sc_bundles>
// kernel: kernel.5.cloned.1.call-start
scs
__scs_entry_jumppad:
0x0: {  	(pc) =	sbr.rel $0x88, $3  }
0x1: {  	(tag) =	ssettag $0x0;
	lr =	simm.s32 $0x1  }
0x2: {  	[smem:$0x3F9A] =	sst lr;
	_ =	strace $0xD0000000  }
0x3: {  	_ = 	snop  }
0x4: {  	_ = 	snop  }
0x5: {  	_ = 	snop  }
0x6: {  	_ = 	snop  }
0x7: {  	_ = 	snop  }
__scs_overlays_trampoline_lowered:
0x8: {  	[smem:$0x3FA9] =	sst s0  }
0x9: {  	[smem:$0x3FAA] =	sst s1  }
0xa: {  	[smem:$0x3FAB] =	sst s2  }
0xb: {  	[smem:$0x3FAC] =	sst s3  }
0xc: {  	[smem:$0x3FAD] =	sst s4  }
0xd: {  	[smem:$0x3FAE] =	sst s5  }
0xe: {  	[smem:$0x3FAF] =	sst s6  }
0xf: {  	[smem:$0x3FB0] =	sst s7  }
0x10: {  	[smem:$0x3FB1] =	sst s8  }
0x11: {  	[smem:$0x3FB2] =	sst s9;
	s0 =	simm.s32 @!p0 $0x0  }
0x12: {  	s1 =	sld [smem:$0x3F98];
	s0 =	simm.s32 @p0 $0x1  }
0x13: {  	[smem:$0x3FB3] =	sst s0;
	s0 =	simm.s32 @!p1 $0x0  }
0x14: {  	s2 =	sld [smem:$0x3F97];
	s0 =	simm.s32 @p1 $0x1  }
0x15: {  	[smem:$0x3FB4] =	sst s0;
	s0 =	simm.s32 @!p2 $0x0  }
0x16: {  	s3 =	sld [smem:$0x3FDB];
	s0 =	simm.s32 @p2 $0x1  }
0x17: {  	s4 =	simm.s32 $0x1BF5;
	[smem:$0x3FB6] =	sst s0  }
0x18: {  	s0 =	sld [smem:$0x3F99];
	_ =	swait.ge [sflag:s4], $0x0  }
0x19: {  	s7 =	sld [smem:$0x3F9A]  }
0x1a: {  	s8 =	sadd.s32 $0xFFFFE003, lr  }
0x1b: {  	s9 =	sadd.s32 $0xFFFFFEF7, lr;
	s5 =	simm.s32 $0xFFFFFFFF;
	p2 =	slt.u32 s8, $0xFFFFF086  }
0x1c: {  	p1 =	slt.u32 s9, $0xF7A;
	s5 =	simm.s32 @!p2 $0x0  }
0x1d: {  	s5 =	simm.s32 @p1 $0x1;
	p0 =	seq.s32 s7, s2  }
0x1e: {  	s7 =	smul.u32 @!p0 $0xF7A, s2;
	p2 =	seq.s32 @!p0 s5, $0x0  }
0x1f: {  	s9 =	smul.u32 $0xF7A, s1;
	s8 =	simm.s32 @!p0 $0x1BF5;
	p2 =	por !p2, p0  }
0x20: {  	[sflag:s8] =	ssyncset.s32 @!p0 $0xFFFFF086;
	s6 =	sadd.s32 @!p0 s3, s7;
	s7 =	simm.s32 @!p0 $0x108  }
0x21: {  	s3 =	sadd.s32 s3, s9;
	s6 =	sadd.s32 @!p0 $0x88, s6;
	s7 =	simm.s32 @p2 $0x1082  }
0x22: {  	[simem:s7], [sflag:s8] =	dma.local @!p0 [hbm:s6], $0xF7A  }
0x23: {  	s9 =	sor.u32 $0xD0000000, s2;
	s6 =	simm.s32 $0x108;
	_ =	swait.ge @!p0 [sflag:s8], $0x0  }
0x24: {  	s3 =	sadd.s32 $0x88, s3;
	s6 =	simm.s32 @!p1 $0x1082;
	[sflag:s4] =	ssyncset.s32 $0xFFFFF086  }
0x25: {  	[simem:s6], [sflag:s4] =	dma.local [hbm:s3], $0xF7A  }
0x26: {  	[smem:$0x3F9A] =	sst s1;
	(tag) =	ssettag s2;
	_ =	strace s9  }
0x27: {  	s1 =	sld [smem:$0x3FAA]  }
0x28: {  	s2 =	sld [smem:$0x3FAB]  }
0x29: {  	s4 =	sld [smem:$0x3FAD]  }
0x2a: {  	p0 =	seq.s32 s5, $0x0;
	s5 =	sld [smem:$0x3FAE]  }
0x2b: {  	s6 =	sld [smem:$0x3FAF]  }
0x2c: {  	s7 =	sld [smem:$0x3FB0]  }
0x2d: {  	s3 =	simm.s32 $0x108;
	s8 =	sld [smem:$0x3FB1]  }
0x2e: {  	s3 =	simm.s32 @!p0 $0x1082;
	s9 =	sld [smem:$0x3FB2]  }
0x2f: {  	lr =	sadd.s32 s0, s3;
	s0 =	sld [smem:$0x3FA9]  }
0x30: {  	s3 =	sld [smem:$0x3FAC]  }
0x31: {  	[smem:$0x3FB5] =	sst s10  }
0x32: {  	s10 =	sld [smem:$0x3FB3];
	_ =	sdelay $0x3  }
0x33: {  	p0 =	seq.s32 s10, $0x1;
	s10 =	sld [smem:$0x3FB5];
	_ =	sdelay $0x3  }
0x34: {  	[smem:$0x3FB5] =	sst s10  }
0x35: {  	s10 =	sld [smem:$0x3FB4];
	_ =	sdelay $0x3  }
0x36: {  	p1 =	seq.s32 s10, $0x1;
	s10 =	sld [smem:$0x3FB5];
	_ =	sdelay $0x3  }
0x37: {  	[smem:$0x3FB5] =	sst s10  }
0x38: {  	s10 =	sld [smem:$0x3FB6]  }
0x39: {  	_ = 	snop;
	(pc) =	sbr.ind lr, $3  }
0x3a: {  	_ = 	snop  }
0x3b: {  	_ = 	snop  }
0x3c: {  	p2 =	seq.s32 s10, $0x1;
	s10 =	sld [smem:$0x3FB5]  }
0x3d: {  	_ =	shalt  }
0x3e: {  	_ =	shalt  }
0x3f: {  	_ =	shalt  }
0x40: {  	_ =	shalt  }
0x41: {  	_ =	shalt  }
0x42: {  	_ =	shalt  }
0x43: {  	_ =	shalt  }
0x44: {  	_ =	shalt  }
0x45: {  	_ =	shalt  }
0x46: {  	_ =	shalt  }
0x47: {  	_ =	shalt  }
0x48: {  	_ =	shalt  }
0x49: {  	_ =	shalt  }
0x4a: {  	_ =	shalt  }
0x4b: {  	_ =	shalt  }
0x4c: {  	_ =	shalt  }
0x4d: {  	_ =	shalt  }
0x4e: {  	_ =	shalt  }
0x4f: {  	_ =	shalt  }
0x50: {  	_ =	shalt  }
0x51: {  	_ =	shalt  }
0x52: {  	_ =	shalt  }
0x53: {  	_ =	shalt  }
0x54: {  	_ =	shalt  }
0x55: {  	_ =	shalt  }
0x56: {  	_ =	shalt  }
0x57: {  	_ =	shalt  }
0x58: {  	_ =	shalt  }
0x59: {  	_ =	shalt  }
0x5a: {  	_ =	shalt  }
0x5b: {  	_ =	shalt  }
0x5c: {  	_ =	shalt  }
0x5d: {  	_ =	shalt  }
0x5e: {  	_ =	shalt  }
0x5f: {  	_ =	shalt  }
0x60: {  	_ =	shalt  }
0x61: {  	_ =	shalt  }
0x62: {  	_ =	shalt  }
0x63: {  	_ =	shalt  }
0x64: {  	_ =	shalt  }
0x65: {  	_ =	shalt  }
0x66: {  	_ =	shalt  }
0x67: {  	_ =	shalt  }
0x68: {  	_ =	shalt  }
0x69: {  	_ =	shalt  }
0x6a: {  	_ =	shalt  }
0x6b: {  	_ =	shalt  }
0x6c: {  	_ =	shalt  }
0x6d: {  	_ =	shalt  }
0x6e: {  	_ =	shalt  }
0x6f: {  	_ =	shalt  }
0x70: {  	_ =	shalt  }
0x71: {  	_ =	shalt  }
0x72: {  	_ =	shalt  }
0x73: {  	_ =	shalt  }
0x74: {  	_ =	shalt  }
0x75: {  	_ =	shalt  }
0x76: {  	_ =	shalt  }
0x77: {  	_ =	shalt  }
0x78: {  	_ =	shalt  }
0x79: {  	_ =	shalt  }
0x7a: {  	_ =	shalt  }
0x7b: {  	_ =	shalt  }
0x7c: {  	_ =	shalt  }
0x7d: {  	_ =	shalt  }
0x7e: {  	_ =	shalt  }
0x7f: {  	_ =	shalt  }
0x80: {  	_ =	shalt  }
0x81: {  	_ =	shalt  }
0x82: {  	_ =	shalt  }
0x83: {  	_ =	shalt  }
0x84: {  	_ =	shalt  }
0x85: {  	_ =	shalt  }
0x86: {  	_ =	shalt  }
0x87: {  	_ =	shalt  }
.Lfunc_end0:
.L_simem_size_0:
called_computation_lowered:
.L_overlay_start_0:
0x88: {  	s0 =	sld [smem:$0x3FD9]  }
0x89: {  	s1 =	sld [smem:$0x3FFE];
	_ =	sdelay $0x3  }
0x8a: {  	s0 =	sadd.s32 s1, s0  }
0x8b: {  	[smem:$0x3FC1] =	sst s0  }
0x8c: {  	_ = 	snop  }
0x8d: {  	s0 =	sld [smem:$0x3FC7];
	(tm) =	ssettm $0x1  }
0x8e: {  	s16 =	sld [smem:$0x3FFB];
	_ =	sdelay $0x3  }
0x8f: {  	_ =	strace s16  }
0x90: {  	s1 =	sld [smem:$0x3FFC];
	_ =	sdelay $0x3  }
0x91: {  	_ =	strace s1  }
0x92: {  	s1 =	sld [smem:$0x3FFD];
	_ =	sdelay $0x3  }
0x93: {  	_ =	strace s1  }
0x94: {  	_ =	strace $0x8FFFFFFF  }
0x95: {  	s17 =	sld [smem:$0x3FDB];
	_ =	sdelay $0x1  }
0x96: {  	s2 =	simm.s32 $_scs_section_size  }
0x97: {  	s3 =	simm.s32 $_size__tile_overlayer_lowered;
	s4 =	simm.s32 $_tile_overlayer_lowered  }
0x98: {  	s20 =	simm.s32 $0x1BFF;
	s19 =	sshll.u32 s4, $0x1;
	s1 =	sadd.s32 s2, s17  }
0x99: {  	s5 =	simm.s32 $0x0;
	s18 =	sshll.u32 s3, $0x1;
	s3 =	sadd.s32 s19, s1  }
0x9a: {  	[timem:s5], [sflag:s20] =	dma.local [hbm:s3], s18  }
0x9b: {  	_ =	swait.ge [sflag:s20], s18  }
0x9c: {  	s2 =	ssub.s32 $0x0, s18;
	[sflag:s20] =	ssyncset.done $0x0  }
0x9d: {  	[sflag:s20] =	ssyncadd.s32 s2;
	_ =	sdelay $0x1  }
0x9e: {  	s21 =	simm.s32 $0x1B8B  }
0x9f: {  	_ =	swait.ge [sflag:s21], $0x1  }
0xa0: {  	[sflag:s21] =	ssyncset.done $0x0  }
0xa1: {  	s23 =	simm.s32 $0x1B8E;
	s22 =	sld [smem:$0x3FFE];
	[sflag:s21] =	ssyncadd.s32 $0xFFFFFFFF  }
0xa2: {  	s24 =	simm.s32 $execute0_lowered;
	[smem:$0x3FD2] =	sst s23  }
0xa3: {  	s3 =	sshll.u32 s24, $0x1;
	_ =	strace $0x80000046;
	[dreg:$0x1] =	wrdreg $0xFFFFFFFF  }
0xa4: {  	s25 =	simm.s32 $_size_execute0_lowered;
	s1 =	sadd.s32 s1, s3;
	[dreg:$0x0] =	wrdreg $0x0  }
0xa5: {  	s3 =	sshll.u32 s25, $0x1;
	[dreg:$0x2] =	wrdreg s1  }
0xa6: {  	[dreg:$0x3] =	wrdreg s3  }
0xa7: {  	[dreg:$0x4] =	wrdreg $0xC0  }
0xa8: {  	_ =	task [dreg:s5], $0x5FFFF  }
0xa9: {  	[dreg:$0x1] =	wrdreg $0xFFFFFFFF  }
0xaa: {  	[dreg:$0x0] =	wrdreg $0x60  }
0xab: {  	[dreg:$0x2] =	wrdreg s0  }
0xac: {  	[dreg:$0x3] =	wrdreg s22  }
0xad: {  	[dreg:$0x4] =	wrdreg $0x131800  }
0xae: {  	[dreg:$0x5] =	wrdreg $0x12E800  }
0xaf: {  	[dreg:$0x6] =	wrdreg $0x12F800  }
0xb0: {  	[dreg:$0x7] =	wrdreg $0x130800  }
0xb1: {  	[dreg:$0x8] =	wrdreg $0x9  }
0xb2: {  	_ =	task.clear_ibuf [dreg:s5], $0x9FFFF;
	_ =	strace $0x90000046  }
0xb3: {  	s26 =	simm.s32 $0x9;
	_ =	strace $0x80000048  }
0xb4: {  	_ =	swait.ge [sflag:s26], $0x1  }
0xb5: {  	[sflag:s26] =	ssyncadd.s32 $0xFFFFFFFF  }
0xb6: {  	_ =	strace $0x90000048  }
0xb7: {  	_ =	sfence  }
0xb8: {  	s28 =	sld [smem:$0x0];
	_ =	sdelay $0x1  }
0xb9: {  	s29 =	srdreg.scid  }
0xba: {  	s30 =	sshll.u32 s29, $0xD;
	s31 =	sshrl.u32 s29, $0x2  }
0xbb: {  	s2 =	sand.u32 $0x4000, s30;
	s1 =	sand.u32 $0x1, s29;
	s0 =	sadd.s32 s31, s28  }
0xbc: {  	s1 =	sor.u32 s2, s1;
	s0 =	sshll.u32 s0, $0x11  }
0xbd: {  	s0 =	sor.u32 s0, s1  }
0xbe: {  	s0 =	sadd.s32 $0x8F2B, s0  }
0xbf: {  	[sflag:s0] =	ssyncadd.remote.s32 $0x1  }
0xc0: {  	_ =	sfence.sel $0xFFFF  }
0xc1: {  	[dreg:$0x0] =	wrdreg $0xFFFFFFFF;
	(pc) =	sbr.abs _section_cstart, $3  }
0xc2: {  	[dreg:$0x1] =	wrdreg $0xFFFFFFFF  }
0xc3: {  	_ =	task.clear_ibuf [dreg:s5], $0x2FFFF;
	_ =	strace $0x9FFFFFFF  }
0xc4: {  	(tm) =	ssettm $0x7FFFFFFF  }
0xc5: {  	_ =	shalt  }
tec
execute0_lowered:
.L_overlay_start_1:
0x0: {  	(tag) =	ssettag $0x1  }
0x1: {  	s1 =	rddreg [dreg:$0x0]  }
0x2: {  	s10 =	rddreg [dreg:$0x1]  }
0x3: {  	s6 =	rddreg [dreg:$0x2]  }
0x4: {  	s5 =	rddreg [dreg:$0x3]  }
0x5: {  	s4 =	rddreg [dreg:$0x4]  }
0x6: {  	s3 =	rddreg [dreg:$0x5]  }
0x7: {  	s0 =	rddreg [dreg:$0x6];
	s9 =	simm.s32 $0x0  }
0x8: {  	s8 =	stileid.u32;
	[smem:$0x7FF] =	sst s9  }
0x9: {  	p0 =	seq.s32 s8, $0xF;
	s15 =	smul.u32 $0xF420, s8;
	_ =	strace $0x80000047  }
0xa: {  	s2 =	sadd.s32 @p0 $0x1C9BC, s1;
	s7 =	simm.s32 @p0 $0x1;
	s11 =	simm.s32 @p0 $0x0  }
0xb: {  	[tilespmem:s11], [sflag:$0x1] =	stream.linear.gather @p0 [hbm4b:s2+s11], $0xF460, $0x38;
	[tilespmem:$0x13190] =	vst v63  }
0xc: {  	s2 =	sshrl.u32 @!p0 s15, $0x3;
	_ =	swait.ge @p0 [sflag:s7], $0xF460  }
0xd: {  	s1 =	sadd.s32 @!p0 s1, s2;
	[sflag:s7] =	ssyncset.done @p0 $0x0  }
0xe: {  	s2 =	simm.s32 @!p0 $0x1;
	[sflag:s7] =	ssyncadd.s32 @p0 $0xFFFF0BA0;
	s7 =	simm.s32 @!p0 $0x0  }
0xf: {  	[tilespmem:s7], [sflag:$0x1] =	stream.linear.gather @!p0 [hbm4b:s1+s7], $0xF420, $0x38;
	[tilespmem:$0x13190] =	vst v63  }
0x10: {  	_ =	swait.ge @!p0 [sflag:s2], $0xF420  }
0x11: {  	s29 =	simm.s32 $0xF780;
	[sflag:s2] =	ssyncset.done @!p0 $0x0  }
0x12: {  	s28 =	sadd.s32 $0x2C00, s10;
	s7 =	simm.s32 $0x1;
	[sflag:s2] =	ssyncadd.s32 @!p0 $0xFFFF0BE0  }
0x13: {  	[tilespmem:s29], [sflag:$0x1] =	stream.linear.gather [hbm4b:s28+s9], $0x80, $0x38;
	[tilespmem:$0x13190] =	vst v63  }
0x14: {  	_ =	swait.ge [sflag:s7], $0x80  }
0x15: {  	[sflag:s7] =	ssyncset.done $0x0  }
0x16: {  	[sflag:s7] =	ssyncadd.s32 $0xFFFFFF80  }
0x17: {  	v0 =	vld [tilespmem:$0xF780];
	_ =	sdelay $0x3  }
0x18: {  	vm1 =	vmmov $0x1  }
0x19: {  	v1 =	vnsel vm1, $0x0, v0  }
0x1a: {  	(xrf0) =	vadd.scan.msk.s32 $0xffff, v1;
	_ =	sdelay $0x3  }
0x1b: {  	v1 =	vld [tilespmem:s9+$0x0];
	_ =	sdelay $0x1  }
0x1c: {  	s1 =	simm.s32 @!p0 $0xF420;
	v2, _, _ =	vpop (xrf0)  }
0x1d: {  	v5 =	vlaneseq.u32;
	s1 =	simm.s32 @p0 $0xF460;
	v4 =	vbroadcast v2, $0xF  }
0x1e: {  	v3 =	vor.u32 s9, v5;
	v6 =	vmov s1  }
0x1f: {  	vm2 =	vlt.s32 v3, v6;
	vm0 =	vlt.s32 v1, v4;
	vm3 =	veq.s32 v1, v4  }
0x20: {  	vm0 =	vmand vm2, vm0;
	vm2 =	vmand vm2, vm3;
	vm3 =	vcmask $0x70C  }
0x21: {  	v7 =	vimm.f32 $0.0e+00;
	v0 =	vsel vm3, $0x0, v0;
	vm3 =	vmor vm0, vm2  }
0x22: {  	s11 =	simm.s32 @!p0 $0xF42;
	(xrf0) =	vadd.scan.msk.s32 $0xffff, v0;
	v0 =	vsel vm3, $0x3F800000, v7  }
0x23: {  	s11 =	simm.s32 @p0 $0xF46;
	(xrf0) =	vmax.scan.msk.f32 $0xffff, v0  }
0x24: {  	s14 =	sshll.u32 s11, $0x4  }
0x25: {  	p0 =	sne.s32 s14, $0x10  }
.Ltmp0:
0x26: {  	_ = 	snop;
	(pc) =	sbr.rel @!p0 .LBB2_1-.Ltmp0, $4  }
0x27: {  	s30 =	sshll.u32 s8, $0x4  }
0x28: {  	p1 =	por $0x0, $0x0;
	s31 =	sshll.u32 s8, $0x8;
	s13 =	sadd.s32 s30, s6;
	v0, _, _ =	vpop (xrf0)  }
0x29: {  	s12 =	sadd.s32 s31, s5;
	s11 =	sadd.s32 s31, s4;
	s1 =	sadd.s32 $0x3000, s10;
	v8, _, _ =	vpop (xrf0)  }
0x2a: {  	s2 =	sadd.s32 $0x2E00, s10;
	s10 =	sadd.s32 s31, s3;
	v2 =	vmov s15;
	s15 =	simm.s32 $0x10;
	v0 =	vbroadcast v0, $0xF;
	(v2sf) =	vpush v8, $0xF  }
0x2b: {  	_ =	sdelay $0xd  }
0x2c: {  	s16 =	spop (v2sf)  }
0x2d: {  	p0 =	sgt.f32 s16, $0.0e+00;
	_ =	sdelay $0x1  }
0x2e: {  	v8 =	vimm.s32 @p0 $0x0  }
0x2f: {  	v9 =	vsel @p0 vm2, $0x1, v8  }
0x30: {  	(xrf0) =	vadd.scan.msk.s32 @p0 $0xffff, v9;
	_ =	sdelay $0x1  }
0x31: {  	v9 =	vsel @p0 vm0, $0x1, v8  }
0x32: {  	(xrf0) =	vadd.scan.msk.s32 @p0 $0xffff, v9;
	v9 =	vmov @p0 s9  }
0x33: {  	v9 =	vadd.s32 @p0 $0xFFFFFFFF, v9  }
0x34: {  	v9 =	vbroadcast @p0 v9, $0x0  }
0x35: {  	v10, _, _ =	vpop @p0 (xrf0)  }
0x36: {  	v3 =	vadd.s32 @p0 v2, v3;
	v9 =	vadd.s32 @p0 v9, v10  }
0x37: {  	[tilespmem:s9+$0xF480] =	vst.msk @p0 vm0, v3;
	vm3 =	vlt.s32 @p0 v9, v0  }
0x38: {  	[tilespmem:s9+$0xF580] =	vst.msk @p0 vm0, v1;
	vm3 =	vmand @p0 vm2, vm3  }
0x39: {  	[tilespmem:s9+$0xF680] =	vst.msk @p0 vm3, v3  }
0x3a: {  	v1 =	vld [tilespmem:s15+$0x0];
	_ =	sdelay $0x2  }
0x3b: {  	v9, _, _ =	vpop @p0 (xrf0)  }
0x3c: {  	v3 =	vor.u32 s15, v5;
	v8 =	vsel @p0 vm3, $0x1, v8;
	(v2sf) =	vpush @p0 v9, $0xF  }
0x3d: {  	vm2 =	vlt.s32 v3, v6;
	(xrf0) =	vadd.scan.msk.s32 @p0 $0xffff, v8;
	vm0 =	vlt.s32 v1, v4;
	vm4 =	veq.s32 v1, v4  }
0x3e: {  	vm0 =	vmand vm2, vm0;
	vm2 =	vmand vm2, vm4  }
0x3f: {  	vm3 =	vmor vm0, vm2  }
0x40: {  	v8 =	vsel vm3, $0x3F800000, v7;
	_ =	sdelay $0x2  }
0x41: {  	(xrf0) =	vmax.scan.msk.f32 $0xffff, v8;
	v8, _, _ =	vpop @p0 (xrf0)  }
0x42: {  	(v2sf) =	vpush @p0 v8, $0xF;
	_ =	sdelay $0x3  }
0x43: {  	p2 =	sne.s32 s14, $0x20  }
.Ltmp1:
0x44: {  	_ = 	snop;
	(pc) =	sbr.rel @!p2 .LBB2_3-.Ltmp1, $4  }
0x45: {  	_ = 	snop  }
0x46: {  	s16 =	spop @p0 (v2sf)  }
0x47: {  	s18 =	simm.s32 $0x20;
	v8, _, _ =	vpop (xrf0);
	s17 =	sadd.s32 @p0 $0x0, s16;
	s16 =	simm.s32 $0x0  }
0x48: {  	p1 =	por $0x1, $0x1;
	(v2sf) =	vpush v8, $0xF;
	s16 =	smov.u32 @p0 s17;
	s17 =	simm.s32 $0x0  }
.LBB2_4:
0x49: {  	_ =	sdelay $0x4  }
0x4a: {  	s20 =	smov.u32 s18;
	s18 =	sadd.s32 $0x10, s18;
	s19 =	spop @p0 (v2sf)  }
0x4b: {  	p2 =	sne.s32 s14, s18;
	s19 =	sadd.s32 @p0 s17, s19  }
0x4c: {  	s17 =	smov.u32 @p0 s19;
	_ =	sdelay $0x6  }
0x4d: {  	s19 =	spop (v2sf)  }
0x4e: {  	p0 =	sgt.f32 s19, $0.0e+00;
	_ =	sdelay $0x1  }
0x4f: {  	v8 =	vimm.s32 @p0 $0x0  }
0x50: {  	v9 =	vsel @p0 vm0, $0x1, v8;
	v10 =	vsel @p0 vm2, $0x1, v8  }
0x51: {  	(xrf0) =	vadd.scan.msk.s32 @p0 $0xffff, v10  }
0x52: {  	(xrf0) =	vadd.scan.msk.s32 @p0 $0xffff, v9;
	_ =	sdelay $0x1  }
0x53: {  	v9 =	vmov @p0 s17  }
0x54: {  	v9 =	vadd.s32 @p0 $0xFFFFFFFF, v9  }
0x55: {  	v9 =	vbroadcast @p0 v9, $0x0  }
0x56: {  	v10, _, _ =	vpop @p0 (xrf0)  }
0x57: {  	v3 =	vadd.s32 @p0 v2, v3;
	v9 =	vadd.s32 @p0 v9, v10;
	v10, _, _ =	vpop @p0 (xrf0)  }
0x58: {  	[tilespmem:s16+$0xF480] =	vst.msk @p0 vm0, v3;
	vm3 =	vlt.s32 @p0 v9, v0;
	(v2sf) =	vpush @p0 v10, $0xF  }
0x59: {  	[tilespmem:s16+$0xF580] =	vst.msk @p0 vm0, v1;
	vm0 =	vmand @p0 vm2, vm3  }
0x5a: {  	s15 =	sadd.s32 $0x10, s15;
	[tilespmem:s17+$0xF680] =	vst.msk @p0 vm0, v3;
	v3 =	vsel @p0 vm0, $0x1, v8  }
0x5b: {  	v1 =	vld [tilespmem:s15+$0x0];
	(xrf0) =	vadd.scan.msk.s32 @p0 $0xffff, v3;
	_ =	sdelay $0x3  }
0x5c: {  	v3 =	vor.u32 s20, v5  }
0x5d: {  	vm2 =	vlt.s32 v3, v6;
	vm0 =	vlt.s32 v1, v4;
	vm3 =	veq.s32 v1, v4  }
0x5e: {  	vm0 =	vmand vm2, vm0;
	vm2 =	vmand vm2, vm3;
	v8, _, _ =	vpop @p0 (xrf0)  }
0x5f: {  	vm3 =	vmor vm0, vm2;
	(v2sf) =	vpush @p0 v8, $0xF  }
0x60: {  	v8 =	vsel vm3, $0x3F800000, v7  }
0x61: {  	(xrf0) =	vmax.scan.msk.f32 $0xffff, v8;
	_ =	sdelay $0x2  }
.Ltmp2:
0x62: {  	s19 =	spop @p0 (v2sf);
	(pc) =	sbr.rel @p2 .LBB2_4-.Ltmp2, $4  }
0x63: {  	s19 =	sadd.s32 @p0 s16, s19  }
0x64: {  	s16 =	smov.u32 @p0 s19  }
0x65: {  	v8, _, _ =	vpop (xrf0)  }
0x66: {  	(v2sf) =	vpush v8, $0xF  }
.LBB2_5:
0x67: {  	_ =	sdelay $0xb  }
0x68: {  	p2 =	por !p0, !p1  }
0x69: {  	s14 =	spop @!p2 (v2sf)  }
0x6a: {  	s15 =	spop (v2sf)  }
0x6b: {  	p0 =	sgt.f32 s15, $0.0e+00;
	_ =	sdelay $0x1  }
0x6c: {  	v4 =	vimm.s32 @p0 $0x0  }
0x6d: {  	v5 =	vsel @p0 vm2, $0x1, v4  }
0x6e: {  	s14 =	sadd.s32 @!p2 s17, s14;
	(xrf0) =	vadd.scan.msk.s32 @p0 $0xffff, v5  }
0x6f: {  	s14 =	smov.u32 @p2 s17  }
0x70: {  	s9 =	smov.u32 @p1 s14  }
0x71: {  	v5 =	vmov @p0 s9  }
0x72: {  	v5 =	vadd.s32 @p0 $0xFFFFFFFF, v5  }
0x73: {  	v5 =	vbroadcast @p0 v5, $0x0  }
0x74: {  	v6, _, _ =	vpop @p0 (xrf0)  }
0x75: {  	v5 =	vadd.s32 @p0 v5, v6  }
0x76: {  	vm3 =	vlt.s32 @p0 v5, v0  }
0x77: {  	v5 =	vsel @p0 vm0, $0x1, v4;
	vm2 =	vmand @p0 vm2, vm3  }
0x78: {  	(xrf0) =	vadd.scan.msk.s32 @p0 $0xffff, v5;
	v4 =	vsel @p0 vm2, $0x1, v4  }
0x79: {  	(xrf0) =	vadd.scan.msk.s32 @p0 $0xffff, v4;
	_ =	sdelay $0x4  }
0x7a: {  	v4, _, _ =	vpop @p0 (xrf0)  }
0x7b: {  	(v2sf) =	vpush @p0 v4, $0xF;
	v4, _, _ =	vpop @p0 (xrf0)  }
0x7c: {  	(v2sf) =	vpush @p0 v4, $0xF;
	_ =	sdelay $0xd  }
0x7d: {  	v2 =	vadd.s32 @p0 v2, v3;
	s14 =	spop @p0 (v2sf)  }
0x7e: {  	[tilespmem:s16+$0xF480] =	vst.msk @p0 vm0, v2;
	s14 =	sadd.s32 @p0 s16, s14;
	s15 =	spop @p0 (v2sf)  }
0x7f: {  	[tilespmem:s16+$0xF580] =	vst.msk @p0 vm0, v1;
	s16 =	smov.u32 @p0 s14;
	s14 =	sadd.s32 @p0 s9, s15  }
0x80: {  	vm0 =	vcmask $0x300;
	[tilespmem:s9+$0xF680] =	vst.msk @p0 vm2, v2;
	s9 =	smov.u32 @p0 s14  }
0x81: {  	vm2 =	vcmask $0x704;
	v1 =	vmov s16;
	v2 =	vmov s9  }
0x82: {  	v1 =	vnsel vm0, $0x0, v1;
	v2 =	vnsel vm2, $0x0, v2  }
0x83: {  	v1 =	vadd.s32 v1, v2  }
0x84: {  	s28 =	simm.s32 $0xF800;
	[tilespmem:$0xF800] =	vst v1  }
0x85: {  	[spmem:s13] =	stream.linear.scatter [tilespmem:s28], [sflag:$0x1], $0x10, $0x38;
	[tilespmem:$0x13190] =	vst v63  }
0x86: {  	_ =	swait.ge [sflag:s7], $0x10  }
0x87: {  	[sflag:s7] =	ssyncset.done $0x0  }
0x88: {  	s29 =	simm.s32 $0xF480;
	[sflag:s7] =	ssyncadd.s32 $0xFFFFFFF0  }
0x89: {  	[spmem:s12] =	stream.linear.scatter [tilespmem:s29], [sflag:$0x1], $0x100, $0x38;
	[tilespmem:$0x13190] =	vst v63  }
0x8a: {  	_ =	swait.ge [sflag:s7], $0x100  }
0x8b: {  	[sflag:s7] =	ssyncset.done $0x0  }
0x8c: {  	s30 =	simm.s32 $0xF580;
	[sflag:s7] =	ssyncadd.s32 $0xFFFFFF00  }
0x8d: {  	[spmem:s11] =	stream.linear.scatter [tilespmem:s30], [sflag:$0x1], $0x100, $0x38;
	[tilespmem:$0x13190] =	vst v63  }
0x8e: {  	_ =	swait.ge [sflag:s7], $0x100  }
0x8f: {  	[sflag:s7] =	ssyncset.done $0x0  }
0x90: {  	s31 =	simm.s32 $0xF680;
	[sflag:s7] =	ssyncadd.s32 $0xFFFFFF00  }
0x91: {  	[spmem:s10] =	stream.linear.scatter [tilespmem:s31], [sflag:$0x1], $0x100, $0x38;
	[tilespmem:$0x13190] =	vst v63  }
0x92: {  	_ =	swait.ge [sflag:s7], $0x100  }
0x93: {  	[sflag:s7] =	ssyncset.done $0x0  }
0x94: {  	[sflag:s7] =	ssyncadd.s32 $0xFFFFFF00  }
0x95: {  	p0 =	sne.s32 s8, $0x0;
	[bflag:$0x0] =	sbarrier.arrive $0xFFFF  }
0x96: {  	_ =	sfence.sel @p0 $0x180000  }
0x97: {  	[bflag:$0x0] =	sbarrier.arrive @p0 $0xFFFF  }
0x98: {  	_ =	strace @p0 $0x90000047  }
0x99: {  	[bflag:$0x2] =	sbarrier.arrive @p0 $0xFFFF  }
0x9a: {  	_ =	shalt @p0  }
.LBB2_6:
0x9b: {  	s8 =	simm.s32 $0x12D80  }
0x9c: {  	[tilespmem:s8], [sflag:$0x1] =	stream.linear.gather [spmem:s6], $0x100, $0x38;
	[tilespmem:$0x13190] =	vst v63  }
0x9d: {  	_ =	swait.ge [sflag:s7], $0x100  }
0x9e: {  	[sflag:s7] =	ssyncset.done $0x0  }
0x9f: {  	s6 =	simm.s32 $0xFD80;
	[sflag:s7] =	ssyncadd.s32 $0xFFFFFF00  }
0xa0: {  	[tilespmem:s6], [sflag:$0x1] =	stream.linear.gather [spmem:s5], $0x1000, $0x38;
	[tilespmem:$0x13190] =	vst v63  }
0xa1: {  	_ =	swait.ge [sflag:s7], $0x1000  }
0xa2: {  	[sflag:s7] =	ssyncset.done $0x0  }
0xa3: {  	s5 =	simm.s32 $0x10D80;
	[sflag:s7] =	ssyncadd.s32 $0xFFFFF000  }
0xa4: {  	[tilespmem:s5], [sflag:$0x1] =	stream.linear.gather [spmem:s4], $0x1000, $0x38;
	[tilespmem:$0x13190] =	vst v63  }
0xa5: {  	_ =	swait.ge [sflag:s7], $0x1000  }
0xa6: {  	[sflag:s7] =	ssyncset.done $0x0  }
0xa7: {  	s31 =	simm.s32 $0x11D80;
	[sflag:s7] =	ssyncadd.s32 $0xFFFFF000  }
0xa8: {  	[tilespmem:s31], [sflag:$0x1] =	stream.linear.gather [spmem:s3], $0x1000, $0x38;
	[tilespmem:$0x13190] =	vst v63  }
0xa9: {  	_ =	swait.ge [sflag:s7], $0x1000  }
0xaa: {  	s4 =	simm.s32 $0x0;
	[sflag:s7] =	ssyncset.done $0x0  }
0xab: {  	s3 =	simm.s32 $0x0;
	[sflag:s7] =	ssyncadd.s32 $0xFFFFF000;
	s7 =	simm.s32 $0x0  }
.LBB2_7:
0xac: {  	s8 =	sshll.u32 s7, $0x4  }
0xad: {  	s8 =	sand.u32 $0x3FFFFFF0, s8  }
0xae: {  	v1 =	vld [tilespmem:s8+$0x12D80];
	_ =	sdelay $0x4  }
0xaf: {  	v1 =	vnsel vm1, $0x0, v1  }
0xb0: {  	(xrf0) =	vadd.scan.msk.s32 $0xffff, v1;
	_ =	sdelay $0x5  }
0xb1: {  	v1, _, _ =	vpop (xrf0)  }
0xb2: {  	(v2sf) =	vpush v1, $0xF;
	_ =	sdelay $0xe  }
0xb3: {  	s8 =	spop (v2sf)  }
0xb4: {  	p4 =	sle.s32 s8, $0x0  }
0xb5: {  	v1 =	vbroadcast v1, $0xF;
	v2 =	vlaneseq.u32 @!p4  }
0xb6: {  	v2 =	vor.u32 @!p4 s4, v2  }
0xb7: {  	p1 =	sle.s32 s8, $0x10;
	p2 =	por p4, p4;
	vm2 =	vlt.s32 @!p4 v2, v1;
	v2 =	vimm.s32 @!p4 $0x0  }
0xb8: {  	s9 =	simm.s32 $0x10;
	v3 =	vlaneseq.u32 @!p1;
	v2 =	vsel @!p2 vm2, $0x1, v2  }
0xb9: {  	v3 =	vor.u32 @!p1 s9, v3;
	(xrf0) =	vadd.scan.msk.s32 @!p2 $0xffff, v2  }
0xba: {  	p0 =	por p1, p1;
	vm3 =	vlt.s32 @!p1 v3, v1;
	v2 =	vimm.s32 @!p1 $0x0  }
0xbb: {  	v2 =	vsel @!p0 vm3, $0x1, v2  }
0xbc: {  	(xrf0) =	vadd.scan.msk.s32 @!p0 $0xffff, v2  }
0xbd: {  	s10 =	simm.s32 @!p4 $0x0  }
0xbe: {  	p3 =	sle.s32 s8, $0x20;
	s9 =	simm.s32 $0x20;
	s10 =	simm.s32 @p4 $0x1  }
0xbf: {  	[smem:$0x7FC] =	sst s10;
	s10 =	simm.s32 @!p1 $0x0;
	vm2 =	vmmov vm2;
	p2 =	por p2, p2;
	v2 =	vlaneseq.u32 @!p3;
	v3, _, _ =	vpop @!p4 (xrf0)  }
0xc0: {  	s12 =	simm.s32 $0x40;
	s11 =	smov.u32 s6;
	s10 =	simm.s32 @p1 $0x1;
	vm2 =	vmmov vm2;
	v2 =	vor.u32 @!p3 s9, v2;
	(v2sf) =	vpush @!p2 v3, $0xF  }
0xc1: {  	p6 =	por p3, p3;
	[smem:$0x7FD] =	sst s10;
	vm3 =	vmmov vm3;
	vm5 =	vlt.s32 @!p3 v2, v1;
	v2 =	vimm.s32 @!p3 $0x0;
	p4 =	por p2, p2  }
0xc2: {  	s10 =	smov.u32 s5;
	vm4 =	vmmov vm2;
	p0 =	por p0, p0;
	vm3 =	vmmov vm3;
	v3 =	vsel @!p6 vm5, $0x1, v2;
	v2 =	vld @!p4 [tilespmem:s6+$0x0];
	p2 =	sle.s32 s8, $0x30;
	v4, _, _ =	vpop @!p1 (xrf0)  }
0xc3: {  	s9 =	simm.s32 $0x30;
	vm2 =	vmmov vm5;
	p5 =	por p4, p4;
	(xrf0) =	vadd.scan.msk.s32 @!p6 $0xffff, v3;
	v3 =	vld @!p4 [tilespmem:s5+$0x0];
	p4 =	por p0, p0;
	(v2sf) =	vpush @!p0 v4, $0xF;
	v4 =	vlaneseq.u32 @!p2  }
.LBB2_8:
0xc4: {  	s13 =	sld [smem:$0x7FC];
	_ =	sdelay $0x2  }
0xc5: {  	s29 =	sld [smem:$0x7FD];
	p1 =	por p3, p3;
	p0 =	seq.s32 s13, $0x1  }
0xc6: {  	v5 =	vor.u32 @!p2 s9, v4;
	s9 =	smov.u32 s12;
	s12 =	sadd.s32 $0x10, s12;
	s13 =	simm.s32 @!p0 $0x0  }
0xc7: {  	p3 =	por p2, p2;
	p2 =	sne.s32 s12, $0x100;
	s13 =	simm.s32 @p0 $0x1  }
0xc8: {  	s14 =	simm.s32 @!p2 $0x0;
	p0 =	seq.s32 s29, $0x1;
	[smem:$0x7FA] =	sst s13  }
0xc9: {  	s14 =	simm.s32 @p2 $0x1;
	s13 =	simm.s32 @!p0 $0x0;
	s30 =	sld [smem:$0x7FA]  }
0xca: {  	[tilespmem:s3+$0xF880] =	vst.msk @!p5 vm4, v2;
	[smem:$0x7FB] =	sst s14;
	s13 =	simm.s32 @p0 $0x1  }
0xcb: {  	[tilespmem:s3+$0xF980] =	vst.msk @!p5 vm4, v3;
	[smem:$0x7FC] =	sst s13;
	s13 =	smov.u32 s3;
	s3 =	simm.s32 @!p1 $0x0  }
0xcc: {  	v4, _, _ =	vpop @!p1 (xrf0);
	s31 =	sld [smem:$0x7FB];
	s3 =	simm.s32 @p1 $0x1;
	p1 =	seq.s32 s30, $0x1  }
0xcd: {  	s11 =	sadd.s32 $0x10, s11;
	[smem:$0x7FD] =	sst s3;
	s3 =	spop @!p1 (v2sf)  }
0xce: {  	vm5 =	vlt.s32 @!p3 v5, v1;
	v2 =	vimm.s32 @!p3 $0x0;
	p0 =	por p6, p6;
	p6 =	por p3, p3;
	s3 =	sadd.s32 @!p5 s13, s3  }
0xcf: {  	s10 =	sadd.s32 $0x10, s10;
	v3 =	vsel @!p6 vm5, $0x1, v2;
	v2 =	vld @!p4 [tilespmem:s11+$0x0];
	s3 =	smov.u32 @p5 s13  }
0xd0: {  	(v2sf) =	vpush @!p0 v4, $0xF;
	(xrf0) =	vadd.scan.msk.s32 @!p6 $0xffff, v3;
	v3 =	vld @!p4 [tilespmem:s10+$0x0];
	p5 =	por p4, p4;
	p4 =	por p0, p0;
	p0 =	seq.s32 s31, $0x1  }
.Ltmp3:
0xd1: {  	_ = 	snop;
	(pc) =	sbr.rel @p0 .LBB2_8-.Ltmp3, $3  }
0xd2: {  	_ =	sdelay $0x1  }
0xd3: {  	vm4 =	vmmov vm3;
	p2 =	sge.s32 s9, s8  }
0xd4: {  	vm3 =	vmmov vm2;
	vm2 =	vmmov vm5;
	v4 =	vlaneseq.u32 @!p2  }
0xd5: {  	v4 =	vor.u32 @!p2 s9, v4  }
0xd6: {  	p0 =	por p2, p2;
	vm5 =	vlt.s32 @!p2 v4, v1;
	v1 =	vimm.s32 @!p2 $0x0  }
0xd7: {  	v1 =	vsel @!p0 vm5, $0x1, v1;
	_ =	sdelay $0x1  }
0xd8: {  	(xrf0) =	vadd.scan.msk.s32 @!p0 $0xffff, v1  }
0xd9: {  	[tilespmem:s3+$0xF880] =	vst.msk @!p5 vm4, v2;
	p1 =	por p6, p6;
	s30 =	sld [smem:$0x7FC];
	v1, _, _ =	vpop @!p3 (xrf0)  }
0xda: {  	s8 =	sadd.s32 $0x10, s11;
	[tilespmem:s3+$0xF980] =	vst.msk @!p5 vm4, v3;
	(v2sf) =	vpush @!p1 v1, $0xF  }
0xdb: {  	s9 =	sadd.s32 $0x10, s10;
	v2 =	vld @!p4 [tilespmem:s8+$0x0]  }
0xdc: {  	p6 =	seq.s32 s30, $0x1;
	v1 =	vld @!p4 [tilespmem:s9+$0x0]  }
0xdd: {  	s10 =	spop @!p6 (v2sf)  }
0xde: {  	p0 =	por p0, p0;
	s10 =	sadd.s32 @!p5 s3, s10;
	v3, _, _ =	vpop @!p2 (xrf0)  }
0xdf: {  	vm3 =	vmmov vm3;
	s10 =	smov.u32 @p5 s3;
	p4 =	por p4, p4;
	(v2sf) =	vpush @!p0 v3, $0xF  }
0xe0: {  	s31 =	sld [smem:$0x7FD];
	[tilespmem:s10+$0xF880] =	vst.msk @!p4 vm3, v2  }
0xe1: {  	p5 =	por p1, p1;
	s3 =	sadd.s32 $0x10, s8;
	[tilespmem:s10+$0xF980] =	vst.msk @!p4 vm3, v1  }
0xe2: {  	s8 =	sadd.s32 $0x10, s9;
	v1 =	vld @!p5 [tilespmem:s3+$0x0]  }
0xe3: {  	p1 =	seq.s32 s31, $0x1;
	v2 =	vld @!p5 [tilespmem:s8+$0x0]  }
0xe4: {  	s9 =	spop @!p1 (v2sf)  }
0xe5: {  	vm2 =	vmmov vm2;
	s9 =	sadd.s32 @!p4 s10, s9  }
0xe6: {  	vm2 =	vmmov vm2;
	p1 =	por p5, p5;
	s9 =	smov.u32 @p4 s10  }
0xe7: {  	[tilespmem:s9+$0xF880] =	vst.msk @!p1 vm2, v1  }
0xe8: {  	p0 =	por p0, p0;
	s3 =	sadd.s32 $0x10, s3;
	[tilespmem:s9+$0xF980] =	vst.msk @!p1 vm2, v2  }
0xe9: {  	v1 =	vld @!p0 [tilespmem:s3+$0x0];
	s3 =	sadd.s32 $0x10, s8;
	s8 =	spop @!p3 (v2sf)  }
0xea: {  	s7 =	sadd.s32 $0x1, s7;
	s8 =	sadd.s32 @!p1 s9, s8  }
0xeb: {  	v2 =	vld @!p0 [tilespmem:s3+$0x0];
	s8 =	smov.u32 @p1 s9;
	p1 =	seq.s32 s7, $0x10  }
.Ltmp4:
0xec: {  	vm2 =	vmmov vm5;
	(pc) =	sbr.rel @!p1 .LBB2_7-.Ltmp4, $4  }
0xed: {  	vm2 =	vmmov vm2  }
0xee: {  	vm2 =	vmmov vm2;
	p0 =	por p0, p0;
	s3 =	spop @!p2 (v2sf)  }
0xef: {  	[tilespmem:s8+$0xF880] =	vst.msk @!p0 vm2, v1;
	s3 =	sadd.s32 @!p0 s8, s3  }
0xf0: {  	s6 =	sadd.s32 $0x100, s6;
	s5 =	sadd.s32 $0x100, s5;
	[tilespmem:s8+$0xF980] =	vst.msk @!p0 vm2, v2;
	s3 =	smov.u32 @p0 s8  }
0xf1: {  	p0 =	slt.s32 s3, $0x1  }
.Ltmp5:
0xf2: {  	_ = 	snop;
	(pc) =	sbr.rel @p0 .LBB2_15-.Ltmp5, $1  }
0xf3: {  	_ =	sdelay $0x3  }
0xf4: {  	v1 =	vmov s3;
	s4 =	simm.s32 $0x0;
	v2 =	vlaneseq.u32;
	v3 =	vimm.s32 $0x0;
	s5 =	simm.s32 $0xFA80;
	s6 =	simm.s32 $0x0  }
.LBB2_12:
0xf5: {  	v4 =	vmov s6;
	_ =	sdelay $0x1  }
0xf6: {  	s7 =	simm.s32 $0xF980  }
0xf7: {  	s8 =	simm.s32 $0xF880;
	v6 =	vld [tilespmem:s7+$0x0]  }
0xf8: {  	v7 =	vld [tilespmem:s8+$0x0]  }
0xf9: {  	v5 =	vld.idx.msk [tilespmem:v4+s7+$0x0], $0xffff  }
0xfa: {  	s21 =	simm.s32 $0xF990;
	v4 =	vld.idx.msk [tilespmem:v4+s8+$0x0], $0xffff  }
0xfb: {  	s22 =	simm.s32 $0xF890;
	v8 =	vld [tilespmem:s21+$0x0]  }
0xfc: {  	v9 =	vld [tilespmem:s22+$0x0];
	_ =	sdelay $0x1  }
0xfd: {  	vm1 =	veq.s32 v6, v5  }
0xfe: {  	s23 =	simm.s32 $0xF9A0;
	s25 =	simm.s32 $0x10;
	vm2 =	vlt.s32 v7, v4;
	v7 =	vor.u32 s4, v2;
	vm3 =	vlt.s32 v6, v5  }
0xff: {  	s24 =	simm.s32 $0xF8A0;
	v10 =	vld [tilespmem:s23+$0x0];
	v6 =	vor.u32 s25, v2;
	vm4 =	vlt.s32 v7, v1;
	vm1 =	vmand vm1, vm2  }
0x100: {  	v11 =	vld [tilespmem:s24+$0x0];
	vm2 =	veq.s32 v8, v5;
	vm1 =	vmor vm3, vm1;
	vm3 =	vlt.s32 v9, v4  }
0x101: {  	vm2 =	vmand vm2, vm3;
	vm3 =	vlt.s32 v8, v5;
	vm1 =	vmand vm4, vm1  }
0x102: {  	s28 =	simm.s32 $0x20;
	vm13 =	vlt.s32 v6, v1;
	vm2 =	vmor vm3, vm2;
	v9 =	vsel vm1, $0x1, v3  }
0x103: {  	s26 =	simm.s32 $0xF9B0;
	v8 =	vor.u32 s28, v2;
	vm2 =	vmand vm13, vm2;
	(xrf0) =	vadd.scan.msk.s32 $0xffff, v9  }
0x104: {  	v6 =	vld [tilespmem:s26+$0x0];
	vm1 =	vlt.s32 v8, v1;
	v8 =	vsel vm2, $0x1, v3  }
0x105: {  	vm14 =	vlt.s32 v11, v4;
	vm3 =	veq.s32 v10, v5;
	(xrf0) =	vadd.scan.msk.s32 $0xffff, v8  }
0x106: {  	vm15 =	vlt.s32 v10, v5;
	vm3 =	vmand vm3, vm14  }
0x107: {  	vm3 =	vmor vm15, vm3  }
0x108: {  	s29 =	simm.s32 $0xF8B0;
	vm1 =	vmand vm1, vm3  }
0x109: {  	v7 =	vld [tilespmem:s29+$0x0];
	vm3 =	vlt.s32 v6, v5;
	v8 =	vsel vm1, $0x1, v3;
	vm1 =	veq.s32 v6, v5;
	v6, _, _ =	vpop (xrf0)  }
0x10a: {  	(v2sf) =	vpush v6, $0xF  }
0x10b: {  	v6, _, _ =	vpop (xrf0)  }
0x10c: {  	(v2sf) =	vpush v6, $0xF;
	_ =	sdelay $0x1  }
0x10d: {  	s30 =	simm.s32 $0x30;
	vm2 =	vlt.s32 v7, v4  }
0x10e: {  	s31 =	simm.s32 $0xF9C0;
	v7 =	vor.u32 s30, v2;
	(xrf0) =	vadd.scan.msk.s32 $0xffff, v8;
	vm1 =	vmand vm1, vm2  }
0x10f: {  	s9 =	simm.s32 $0xF8C0;
	vm2 =	vlt.s32 v7, v1;
	v7 =	vld [tilespmem:s31+$0x0];
	vm1 =	vmor vm3, vm1  }
0x110: {  	vm1 =	vmand vm2, vm1;
	v6 =	vld [tilespmem:s9+$0x0]  }
0x111: {  	v8 =	vsel vm1, $0x1, v3;
	_ =	sdelay $0x1  }
0x112: {  	s10 =	simm.s32 $0x50  }
0x113: {  	s11 =	simm.s32 $0xF9D0;
	s8 =	simm.s32 $0x40;
	s7 =	simm.s32 $0x0;
	(xrf0) =	vadd.scan.msk.s32 $0xffff, v8;
	v8, _, _ =	vpop (xrf0)  }
.LBB2_13:
0x114: {  	v9 =	vld [tilespmem:s11+$0x0];
	vm1 =	veq.s32 v7, v5;
	vm2 =	vlt.s32 v6, v4;
	s9 =	sadd.s32 $0x10, s9;
	(v2sf) =	vpush v8, $0xF;
	s12 =	smov.u32 s10;
	p0 =	sne.s32 s10, $0xC0  }
.Ltmp6:
0x115: {  	s10 =	sadd.s32 $0x10, s10;
	v8 =	vor.u32 s8, v2;
	vm3 =	vlt.s32 v7, v5;
	v6 =	vld [tilespmem:s9+$0x0];
	vm1 =	vmand vm1, vm2;
	(pc) =	sbr.rel @p0 .LBB2_13-.Ltmp6, $4  }
0x116: {  	vm2 =	vlt.s32 v8, v1;
	s8 =	smov.u32 s12;
	vm1 =	vmor vm3, vm1  }
0x117: {  	vm1 =	vmand vm2, vm1;
	s12 =	spop (v2sf)  }
0x118: {  	v10 =	vsel vm1, $0x1, v3;
	s7 =	sadd.s32 s7, s12  }
0x119: {  	s11 =	sadd.s32 $0x10, s11;
	(xrf0) =	vadd.scan.msk.s32 $0xffff, v10;
	v8, _, _ =	vpop (xrf0);
	v7 =	vmov v9  }
0x11a: {  	vm1 =	veq.s32 v7, v5;
	vm2 =	vlt.s32 v6, v4  }
0x11b: {  	vm3 =	vlt.s32 v7, v5;
	v5 =	vor.u32 s8, v2;
	vm1 =	vmand vm1, vm2  }
0x11c: {  	vm2 =	vlt.s32 v5, v1;
	vm1 =	vmor vm3, vm1  }
0x11d: {  	vm1 =	vmand vm2, vm1  }
0x11e: {  	v5 =	vsel vm1, $0x1, v3  }
0x11f: {  	(xrf0) =	vadd.scan.msk.s32 $0xffff, v5;
	_ =	sdelay $0x4  }
0x120: {  	(v2sf) =	vpush v8, $0xF;
	v5, _, _ =	vpop (xrf0)  }
0x121: {  	(v2sf) =	vpush v5, $0xF;
	v5, _, _ =	vpop (xrf0)  }
0x122: {  	(v2sf) =	vpush v5, $0xF;
	_ =	sdelay $0xa  }
0x123: {  	s26 =	spop (v2sf)  }
0x124: {  	s7 =	sadd.s32 s7, s26;
	s28 =	spop (v2sf)  }
0x125: {  	s7 =	sadd.s32 s7, s28;
	s29 =	spop (v2sf)  }
0x126: {  	s7 =	sadd.s32 s7, s29;
	s30 =	spop (v2sf)  }
0x127: {  	s7 =	sadd.s32 s7, s30;
	s31 =	spop (v2sf)  }
0x128: {  	s7 =	sadd.s32 s7, s31  }
0x129: {  	s6 =	sadd.s32 $0x1, s6;
	v5 =	vmov s7  }
0x12a: {  	p0 =	sne.s32 s6, s3;
	v5 =	vnsel vm0, $0x0, v5  }
.Ltmp7:
0x12b: {  	_ = 	snop;
	(pc) =	sbr.rel @p0 .LBB2_12-.Ltmp7, $2  }
0x12c: {  	_ =	sdelay $0x2  }
0x12d: {  	[tilespmem:v5+s5+$0x0] =	vst.idx.msk $0x1, v4  }
.LBB2_15:
0x12e: {  	s4 =	simm.s32 $0x0;
	vm1 =	vcmask $0x308;
	s7 =	simm.s32 $0x0;
	s5 =	simm.s32 $0x0  }
.LBB2_16:
0x12f: {  	s6 =	sshll.u32 s5, $0x4  }
0x130: {  	s6 =	sand.u32 $0x3FFFFFF0, s6  }
0x131: {  	v1 =	vld [tilespmem:s6+$0x12D80];
	_ =	sdelay $0x4  }
0x132: {  	v1 =	vsel vm1, $0x0, v1  }
0x133: {  	(xrf0) =	vadd.scan.msk.s32 $0xffff, v1;
	_ =	sdelay $0x5  }
0x134: {  	v1, _, _ =	vpop (xrf0)  }
0x135: {  	(v2sf) =	vpush v1, $0xF;
	_ =	sdelay $0xe  }
0x136: {  	s6 =	spop (v2sf)  }
0x137: {  	p0 =	sle.s32 s6, $0x0  }
0x138: {  	v1 =	vbroadcast v1, $0xF;
	v2 =	vlaneseq.u32 @!p0  }
0x139: {  	v2 =	vor.u32 @!p0 s4, v2  }
0x13a: {  	vm2 =	vlt.s32 @!p0 v2, v1;
	v2 =	vimm.s32 @!p0 $0x0  }
0x13b: {  	v3 =	vsel @!p0 vm2, $0x1, v2  }
0x13c: {  	(xrf0) =	vadd.scan.msk.s32 @!p0 $0xffff, v3;
	_ =	sdelay $0x5  }
0x13d: {  	v3, _, _ =	vpop @!p0 (xrf0)  }
0x13e: {  	p1 =	por p0, p0;
	v3 =	vadd.s32 @!p0 $0xFFFFFFFF, v3  }
0x13f: {  	v4 =	vadd.s32 @!p1 s7, v3  }
0x140: {  	s8 =	sshll.u32 s5, $0x8;
	vm3 =	vlt.s32 @!p1 v4, v0  }
0x141: {  	s8 =	sand.u32 $0x3FFFFF00, s8;
	vm2 =	vmand @!p1 vm2, vm3  }
0x142: {  	s8 =	sadd.s32 $0x11D80, s8;
	s9 =	sand.u32 @!p1 $0x80, s4;
	v2 =	vsel @!p1 vm2, $0x1, v2  }
0x143: {  	s10 =	sand.u32 @!p1 $0x70, s4;
	s9 =	sadd.s32 @!p1 s9, s8;
	(xrf0) =	vadd.scan.msk.s32 @!p1 $0xffff, v2  }
0x144: {  	s11 =	sadd.s32 @!p1 s3, s7;
	s9 =	sadd.s32 @!p1 s10, s9  }
0x145: {  	v2 =	vadd.s32 @!p1 s11, v3;
	v3 =	vld @!p1 [tilespmem:s9+$0x0];
	_ =	sdelay $0x3  }
0x146: {  	s10 =	simm.s32 @!p1 $0xFA80;
	v4, _, _ =	vpop @!p0 (xrf0)  }
0x147: {  	s9 =	simm.s32 $0x10;
	[tilespmem:v2+s10+$0x0] =	vst.idx.msk @!p1 vm2, v3;
	(v2sf) =	vpush @!p1 v4, $0xF  }
.LBB2_17:
0x148: {  	_ =	sdelay $0x2  }
0x149: {  	s10 =	smov.u32 s7;
	p3 =	por p0, p0  }
0x14a: {  	p0 =	sge.s32 s9, s6;
	s11 =	smov.u32 s9;
	s9 =	sadd.s32 $0x10, s9  }
0x14b: {  	v2 =	vlaneseq.u32 @!p0;
	p2 =	sne.s32 s9, $0x100  }
0x14c: {  	v2 =	vor.u32 @!p0 s11, v2  }
0x14d: {  	vm2 =	vlt.s32 @!p0 v2, v1;
	v2 =	vimm.s32 @!p0 $0x0  }
0x14e: {  	v3 =	vsel @!p0 vm2, $0x1, v2  }
0x14f: {  	(xrf0) =	vadd.scan.msk.s32 @!p0 $0xffff, v3;
	_ =	sdelay $0x4  }
0x150: {  	s7 =	spop @!p3 (v2sf)  }
0x151: {  	v3, _, _ =	vpop @!p0 (xrf0);
	s7 =	sadd.s32 @!p1 s10, s7  }
0x152: {  	v3 =	vadd.s32 @!p0 $0xFFFFFFFF, v3;
	s7 =	smov.u32 @p1 s10;
	p1 =	por p0, p0  }
0x153: {  	s10 =	sand.u32 @!p1 $0x80, s11;
	v4 =	vadd.s32 @!p1 s7, v3;
	s12 =	sadd.s32 @!p1 s3, s7  }
0x154: {  	s11 =	sand.u32 @!p1 $0x70, s11;
	s10 =	sadd.s32 @!p1 s10, s8;
	vm3 =	vlt.s32 @!p1 v4, v0;
	v3 =	vadd.s32 @!p1 s12, v3  }
0x155: {  	s10 =	sadd.s32 @!p1 s11, s10;
	vm2 =	vmand @!p1 vm2, vm3  }
0x156: {  	v4 =	vld @!p1 [tilespmem:s10+$0x0];
	v2 =	vsel @!p1 vm2, $0x1, v2  }
0x157: {  	(xrf0) =	vadd.scan.msk.s32 @!p1 $0xffff, v2;
	_ =	sdelay $0x2  }
.Ltmp8:
0x158: {  	s10 =	simm.s32 @!p1 $0xFA80;
	(pc) =	sbr.rel @p2 .LBB2_17-.Ltmp8, $3  }
0x159: {  	[tilespmem:v3+s10+$0x0] =	vst.idx.msk @!p1 vm2, v4;
	_ =	sdelay $0x1  }
0x15a: {  	v2, _, _ =	vpop @!p0 (xrf0)  }
0x15b: {  	(v2sf) =	vpush @!p1 v2, $0xF  }
0x15c: {  	_ =	sdelay $0xc  }
0x15d: {  	s5 =	sadd.s32 $0x1, s5  }
0x15e: {  	s6 =	spop @!p0 (v2sf);
	p0 =	sne.s32 s5, $0x10  }
.Ltmp9:
0x15f: {  	_ = 	snop;
	(pc) =	sbr.rel @p0 .LBB2_16-.Ltmp9, $4  }
0x160: {  	_ = 	snop  }
0x161: {  	s6 =	sadd.s32 @!p1 s7, s6  }
0x162: {  	s6 =	smov.u32 @p1 s7  }
0x163: {  	s7 =	smov.u32 s6  }
0x164: {  	v1 =	vimm.s32 $0x40000000  }
0x165: {  	v0 =	vimm.s32 $0x0;
	[tilespmem:$0xFB80] =	vst v1  }
0x166: {  	[tilespmem:$0xFC80] =	vst v0  }
0x167: {  	[tilespmem:$0xFB90] =	vst v1  }
0x168: {  	[tilespmem:$0xFC90] =	vst v0  }
0x169: {  	[tilespmem:$0xFBA0] =	vst v1  }
0x16a: {  	[tilespmem:$0xFCA0] =	vst v0  }
0x16b: {  	[tilespmem:$0xFBB0] =	vst v1  }
0x16c: {  	[tilespmem:$0xFCB0] =	vst v0  }
0x16d: {  	[tilespmem:$0xFBC0] =	vst v1  }
0x16e: {  	[tilespmem:$0xFCC0] =	vst v0  }
0x16f: {  	[tilespmem:$0xFBD0] =	vst v1  }
0x170: {  	[tilespmem:$0xFCD0] =	vst v0  }
0x171: {  	[tilespmem:$0xFBE0] =	vst v1  }
0x172: {  	[tilespmem:$0xFCE0] =	vst v0  }
0x173: {  	[tilespmem:$0xFBF0] =	vst v1  }
0x174: {  	[tilespmem:$0xFCF0] =	vst v0  }
0x175: {  	[tilespmem:$0xFC00] =	vst v1  }
0x176: {  	[tilespmem:$0xFD00] =	vst v0  }
0x177: {  	[tilespmem:$0xFC10] =	vst v1  }
0x178: {  	[tilespmem:$0xFD10] =	vst v0  }
0x179: {  	[tilespmem:$0xFC20] =	vst v1  }
0x17a: {  	[tilespmem:$0xFD20] =	vst v0  }
0x17b: {  	[tilespmem:$0xFC30] =	vst v1  }
0x17c: {  	[tilespmem:$0xFD30] =	vst v0  }
0x17d: {  	[tilespmem:$0xFC40] =	vst v1  }
0x17e: {  	[tilespmem:$0xFD40] =	vst v0  }
0x17f: {  	[tilespmem:$0xFC50] =	vst v1  }
0x180: {  	[tilespmem:$0xFC60] =	vst v1  }
0x181: {  	[tilespmem:$0xFC70] =	vst v1;
	v1 =	vlaneseq.u32  }
0x182: {  	[tilespmem:$0xFD50] =	vst v0;
	v1 =	vmul.u32 $0xFFFFFFFF, v1  }
0x183: {  	s3 =	simm.s32 $0x0;
	[tilespmem:$0xFD60] =	vst v0  }
0x184: {  	s4 =	simm.s32 $0xFB80;
	s5 =	simm.s32 $0xFC80;
	s6 =	simm.s32 $0x0;
	[tilespmem:$0xFD70] =	vst v0;
	v1 =	vadd.s32 $0xC8, v1  }
.LBB2_20:
0x185: {  	v2 =	vmov s6;
	_ =	sdelay $0x2  }
0x186: {  	s7 =	simm.s32 $0xFA80  }
0x187: {  	v4 =	vld [tilespmem:s7+$0x0]  }
0x188: {  	v3 =	vld.idx.msk [tilespmem:v2+s7+$0x0], $0xffff  }
0x189: {  	s24 =	simm.s32 $0xFA90  }
0x18a: {  	v5 =	vld [tilespmem:s24+$0x0];
	_ =	sdelay $0x1  }
0x18b: {  	s25 =	simm.s32 $0xFAA0;
	v7 =	vmov s3  }
0x18c: {  	v6 =	vld [tilespmem:s25+$0x0];
	vm1 =	vlt.u32 v7, v1;
	vm2 =	vlt.s32 v4, v3  }
0x18d: {  	vm1 =	vmand vm1, vm2  }
0x18e: {  	s26 =	simm.s32 $0x10;
	vm4 =	vlt.s32 v5, v3;
	v5 =	vsel vm1, $0x1, v0  }
0x18f: {  	s28 =	simm.s32 $0x20;
	v59 =	vmov s26;
	(xrf0) =	vadd.scan.msk.s32 $0xffff, v5  }
0x190: {  	vm3 =	vlt.u32 v59, v1;
	v4 =	vmov s28  }
0x191: {  	vm2 =	vmand vm3, vm4;
	vm3 =	vlt.s32 v6, v3;
	vm1 =	vlt.u32 v4, v1  }
0x192: {  	v4 =	vsel vm2, $0x1, v0;
	vm1 =	vmand vm1, vm3  }
0x193: {  	s29 =	simm.s32 $0xFAB0;
	(xrf0) =	vadd.scan.msk.s32 $0xffff, v4;
	v5 =	vsel vm1, $0x1, v0  }
0x194: {  	v4 =	vld [tilespmem:s29+$0x0];
	(xrf0) =	vadd.scan.msk.s32 $0xffff, v5  }
0x195: {  	v61, _, _ =	vpop (xrf0)  }
0x196: {  	(v2sf) =	vpush v61, $0xF;
	_ =	sdelay $0x2  }
0x197: {  	vm2 =	vlt.s32 v4, v3;
	v4, _, _ =	vpop (xrf0)  }
0x198: {  	(v2sf) =	vpush v4, $0xF;
	v62, _, _ =	vpop (xrf0)  }
0x199: {  	(v2sf) =	vpush v62, $0xF  }
0x19a: {  	s8 =	simm.s32 $0x30  }
0x19b: {  	s30 =	simm.s32 $0xFAC0;
	v60 =	vmov s8  }
0x19c: {  	vm1 =	vlt.u32 v60, v1;
	v5 =	vld [tilespmem:s30+$0x0]  }
0x19d: {  	vm1 =	vmand vm1, vm2  }
0x19e: {  	v4 =	vsel vm1, $0x1, v0  }
0x19f: {  	s31 =	simm.s32 $0x40;
	(xrf0) =	vadd.scan.msk.s32 $0xffff, v4  }
0x1a0: {  	v63 =	vmov s31  }
0x1a1: {  	s9 =	simm.s32 $0xFAD0;
	s8 =	simm.s32 $0x50;
	s7 =	simm.s32 $0x0;
	vm2 =	vlt.s32 v5, v3;
	vm1 =	vlt.u32 v63, v1  }
.LBB2_21:
0x1a2: {  	p0 =	sne.s32 s8, $0xC0  }
0x1a3: {  	v4 =	vld [tilespmem:s9+$0x0];
	vm1 =	vmand vm1, vm2;
	s10 =	spop (v2sf);
	s11 =	smov.u32 s8;
	s8 =	sadd.s32 $0x10, s8  }
.Ltmp10:
0x1a4: {  	v6 =	vsel vm1, $0x1, v0;
	s7 =	sadd.s32 s7, s10;
	(pc) =	sbr.rel @p0 .LBB2_21-.Ltmp10, $4  }
0x1a5: {  	(xrf0) =	vadd.scan.msk.s32 $0xffff, v6;
	v5, _, _ =	vpop (xrf0)  }
0x1a6: {  	(v2sf) =	vpush v5, $0xF  }
0x1a7: {  	v5 =	vmov s11  }
0x1a8: {  	s9 =	sadd.s32 $0x10, s9;
	vm1 =	vlt.u32 v5, v1;
	vm2 =	vlt.s32 v4, v3  }
0x1a9: {  	vm1 =	vmand vm1, vm2  }
0x1aa: {  	v4 =	vsel vm1, $0x1, v0  }
0x1ab: {  	(xrf0) =	vadd.scan.msk.s32 $0xffff, v4;
	_ =	sdelay $0x4  }
0x1ac: {  	v61, _, _ =	vpop (xrf0)  }
0x1ad: {  	(v2sf) =	vpush v61, $0xF;
	v62, _, _ =	vpop (xrf0)  }
0x1ae: {  	(v2sf) =	vpush v62, $0xF;
	_ =	sdelay $0xa  }
0x1af: {  	s8 =	spop (v2sf)  }
0x1b0: {  	s7 =	sadd.s32 s7, s8;
	s28 =	spop (v2sf)  }
0x1b1: {  	s7 =	sadd.s32 s7, s28;
	s29 =	spop (v2sf)  }
0x1b2: {  	s7 =	sadd.s32 s7, s29;
	s30 =	spop (v2sf)  }
0x1b3: {  	s7 =	sadd.s32 s7, s30;
	s31 =	spop (v2sf)  }
0x1b4: {  	s7 =	sadd.s32 s7, s31  }
0x1b5: {  	v63 =	vmov s7  }
0x1b6: {  	v4 =	vnsel vm0, $0x0, v63;
	_ =	sdelay $0x3  }
0x1b7: {  	s6 =	sadd.s32 $0x1, s6  }
0x1b8: {  	p0 =	sne.s32 s6, $0xC8;
	[tilespmem:v4+s4+$0x0] =	vst.idx.msk $0x1, v3  }
0x1b9: {  	s3 =	simm.s32 @!p0 $0x0;
	s4 =	simm.s32 @!p0 $0xFB80;
	[tilespmem:v4+s5+$0x0] =	vst.idx.msk $0x1, v2  }
0x1ba: {  	[hbm4b:s2+s3] =	stream.linear.scatter @!p0 [tilespmem:s4], [sflag:$0x1], $0x100, $0x38;
	[tilespmem:$0x13190] =	vst v63  }
0x1bb: {  	s2 =	simm.s32 @!p0 $0x1  }
0x1bc: {  	_ =	swait.ge @!p0 [sflag:s2], $0x100  }
0x1bd: {  	[sflag:s2] =	ssyncset.done @!p0 $0x0  }
0x1be: {  	s4 =	simm.s32 @!p0 $0xFC80;
	[sflag:s2] =	ssyncadd.s32 @!p0 $0xFFFFFF00  }
0x1bf: {  	[hbm4b:s1+s3] =	stream.linear.scatter @!p0 [tilespmem:s4], [sflag:$0x1], $0x100, $0x38;
	[tilespmem:$0x13190] =	vst v63  }
0x1c0: {  	_ =	swait.ge @!p0 [sflag:s2], $0x100  }
0x1c1: {  	[sflag:s2] =	ssyncset.done @!p0 $0x0  }
0x1c2: {  	[sflag:s2] =	ssyncadd.s32 @!p0 $0xFFFFFF00  }
0x1c3: {  	_ =	sfence.sel @!p0 $0x180000  }
0x1c4: {  	[bflag:$0x0] =	sbarrier.arrive @!p0 $0xFFFF  }
0x1c5: {  	_ =	strace @!p0 $0x90000047  }
0x1c6: {  	s0 =	sadd.s32 @!p0 $0x100000, s0;
	[bflag:$0x2] =	sbarrier.arrive @!p0 $0xFFFF  }
0x1c7: {  	[sflag:s0] =	ssyncadd.tile.s32 @!p0 $0x1;
	_ =	shalt @!p0  }
.Ltmp11:
0x1c8: {  	_ = 	snop;
	(pc) =	sbr.rel .LBB2_20-.Ltmp11, $4  }
0x1c9: {  	_ = 	snop  }
0x1ca: {  	_ = 	snop  }
0x1cb: {  	_ = 	snop  }
0x1cc: {  	_ = 	snop  }
.LBB2_1:
.Ltmp12:
0x1cd: {  	(pc) =	sbr.rel .LBB2_5-.Ltmp12, $2  }
0x1ce: {  	_ =	sdelay $0x2  }
0x1cf: {  	s17 =	simm.s32 $0x0;
	s16 =	simm.s32 $0x0  }
.LBB2_3:
.Ltmp13:
0x1d0: {  	(pc) =	sbr.rel .LBB2_5-.Ltmp13, $2  }
0x1d1: {  	_ =	sdelay $0x2  }
0x1d2: {  	s17 =	simm.s32 $0x0  }
.Lfunc_end2:
_tile_overlayer_lowered:
.L_overlay_start_2:
0x1d3: {  	(tag) =	ssettag $0x2  }
0x1d4: {  	s0 =	rddreg [dreg:$0x0];
	s2 =	stileid.u32  }
0x1d5: {  	s1 =	rddreg [dreg:$0x1];
	p0 =	sne.s32 s2, $0x0  }
0x1d6: {  	s3 =	rddreg [dreg:$0x2];
	[bflag:$0x3] =	sbarrier.arrive $0xFFFF;
	s2 =	simm.s32 @!p0 $0x1C01  }
0x1d7: {  	[timem:s3], [sflag:s2] =	dma.local @!p0 [hbm:s0], s1  }
0x1d8: {  	s0 =	simm.s32 @!p0 $0x1  }
0x1d9: {  	_ =	swait.ge @!p0 [sflag:s0], s1  }
0x1da: {  	s1 =	ssub.s32 @!p0 $0x0, s1;
	[sflag:s0] =	ssyncset.done @!p0 $0x0  }
0x1db: {  	[sflag:s0] =	ssyncadd.s32 @!p0 s1  }
0x1dc: {  	[bflag:$0x3] =	sbarrier.arrive $0xFFFF  }
0x1dd: {  	_ =	shalt  }

</sc_bundles>
